<compile_context>
chip_gen: v7x
topology: tpu7x:2x2x1
jax: 0.10.2.dev20260603
libtpu: 0.0.44.dev20260713+nightly
codegen_flags: <defaults>
</compile_context>

<pallas_src>
import functools

import jax
import jax.numpy as jnp
from jax import lax
from jax.experimental import pallas as pl
from jax.experimental.pallas import tpu as pltpu
from jax.experimental.pallas import tpu_sc as plsc

N = 10000
E = 320000
D = 128

NC = 2
NS = 16
NW = NC * NS
EB = 80
E_PER_TILE = E // NW
NP = 10240
N_PER_SUB = NP // NS
DEG_W = 128

assert E % NW == 0 and E_PER_TILE % EB == 0
assert NP % (8 * NS) == 0 and EB % 8 == 0 and E_PER_TILE % 8 == 0

NBATCH = E_PER_TILE // EB


def _deg2_body(col_hbm, ones_hbm, zeros_hbm, out_hbm,
               idxc_v, ones_v, acc_sh, csem0, csem1):
    c = lax.axis_index("c")
    s = lax.axis_index("s")
    wid = s * NC + c
    nslc = pl.ds(s * N_PER_SUB, N_PER_SUB)
    base = pl.multiple_of(wid * E_PER_TILE, EB)
    pltpu.sync_copy(zeros_hbm.at[nslc], acc_sh.at[nslc])
    pltpu.sync_copy(ones_hbm, ones_v)
    plsc.subcore_barrier()

    csems = (csem0, csem1)

    def start_batch(i, b):
        off = pl.multiple_of(base + i * EB, EB)
        pltpu.async_copy(col_hbm.at[pl.ds(off, EB)], idxc_v.at[b], csems[b])

    def finish_batch(i, b):
        pltpu.make_async_copy(col_hbm.at[pl.ds(0, EB)], idxc_v.at[b],
                              csems[b]).wait()
        pltpu.sync_copy(ones_v, acc_sh.at[idxc_v.at[b]], add=True)

    def _do(i, b):
        @pl.when(i + 1 < NBATCH)
        def _():
            start_batch(i + 1, 1 - b)

        finish_batch(i, b)

    start_batch(0, 0)

    def step(i, carry):
        @pl.when(lax.rem(i, 2) == 0)
        def _():
            _do(i, 0)

        @pl.when(lax.rem(i, 2) == 1)
        def _():
            _do(i, 1)

        return carry

    lax.fori_loop(0, NBATCH, step, 0)
    plsc.subcore_barrier()
    pltpu.sync_copy(acc_sh.at[nslc], out_hbm.at[c, nslc])


@functools.cache
def _get_deg2():
    return pl.kernel(
        _deg2_body,
        out_type=jax.ShapeDtypeStruct((NC, NP, DEG_W), jnp.float32),
        mesh=plsc.VectorSubcoreMesh(core_axis_name="c", subcore_axis_name="s"),
        scratch_types=[
            pltpu.VMEM((2, EB), jnp.int32),
            pltpu.VMEM((EB, DEG_W), jnp.float32),
            pltpu.VMEM_SHARED((NP, DEG_W), jnp.float32),
            pltpu.SemaphoreType.DMA,
            pltpu.SemaphoreType.DMA,
        ],
    )


NBUF = 3


def _msg2_body(y_hbm, row_hbm, col_hbm, zeros_hbm, out_hbm,
               idxr_v, idxc_v, rows_v, acc_sh, *sems):
    gsems = sems[:NBUF]
    csems = sems[NBUF:]
    c = lax.axis_index("c")
    s = lax.axis_index("s")
    wid = s * NC + c
    nslc = pl.ds(s * N_PER_SUB, N_PER_SUB)
    base = pl.multiple_of(wid * E_PER_TILE, EB)
    pltpu.sync_copy(row_hbm.at[pl.ds(base, E_PER_TILE)], idxr_v)
    pltpu.sync_copy(zeros_hbm.at[nslc], acc_sh.at[nslc])
    plsc.subcore_barrier()

    def start_batch(i, b):
        off = pl.multiple_of(base + i * EB, EB)
        pltpu.async_copy(col_hbm.at[pl.ds(off, EB)], idxc_v.at[b], csems[b])
        pltpu.async_copy(y_hbm.at[idxr_v.at[pl.ds(i * EB, EB)]],
                         rows_v.at[b], gsems[b])

    def finish_batch(i, b):
        pltpu.make_async_copy(col_hbm.at[pl.ds(0, EB)], idxc_v.at[b],
                              csems[b]).wait()
        pltpu.make_async_copy(y_hbm.at[pl.ds(0, EB)], rows_v.at[b],
                              gsems[b]).wait()
        pltpu.sync_copy(rows_v.at[b], acc_sh.at[idxc_v.at[b]], add=True)

    def _do(i, b):
        @pl.when(i + NBUF - 1 < NBATCH)
        def _():
            start_batch(i + NBUF - 1, (b + NBUF - 1) % NBUF)

        finish_batch(i, b)

    for j in range(NBUF - 1):
        start_batch(j, j)

    def step(i, carry):
        for b in range(NBUF):
            @pl.when(lax.rem(i, NBUF) == b)
            def _(b=b):
                _do(i, b)

        return carry

    lax.fori_loop(0, NBATCH, step, 0)
    plsc.subcore_barrier()
    pltpu.sync_copy(acc_sh.at[nslc], out_hbm.at[c, nslc])


@functools.cache
def _get_msg2():
    return pl.kernel(
        _msg2_body,
        out_type=jax.ShapeDtypeStruct((NC, NP, D), jnp.float32),
        mesh=plsc.VectorSubcoreMesh(core_axis_name="c", subcore_axis_name="s"),
        scratch_types=[
            pltpu.VMEM((E_PER_TILE,), jnp.int32),
            pltpu.VMEM((NBUF, EB), jnp.int32),
            pltpu.VMEM((NBUF, EB, D), jnp.float32),
            pltpu.VMEM_SHARED((NP, D), jnp.float32),
        ] + [pltpu.SemaphoreType.DMA] * (2 * NBUF),
    )


BN = 1000


def _dinv_of(degp):
    deg = jnp.sum(degp, axis=(0, 2)) * (1.0 / DEG_W) + 1.0
    return lax.rsqrt(deg)


DINV_W = 16


def _dinv16_of(dref):
    return jnp.sum(dref, axis=1) * (1.0 / DINV_W)


def _tc_mm_body(x_ref, wt_ref, z_ref):
    z_ref[...] = jnp.dot(x_ref[...], wt_ref[...],
                         preferred_element_type=jnp.float32)


_tc_mm = pl.pallas_call(
    _tc_mm_body,
    grid=(N // BN,),
    in_specs=[
        pl.BlockSpec((BN, D), lambda i: (i, 0)),
        pl.BlockSpec((D, D), lambda i: (0, 0)),
    ],
    out_specs=pl.BlockSpec((BN, D), lambda i: (i, 0)),
    out_shape=jax.ShapeDtypeStruct((N, D), jnp.float32),
)


def _tc_scale_body(z_ref, degp_ref, y_ref, dinv_ref):
    dinv = _dinv_of(degp_ref[...])
    y_ref[...] = z_ref[...] * dinv[:, None]
    dinv_ref[...] = jnp.broadcast_to(dinv[:, None], (BN, DINV_W))


_tc_scale = pl.pallas_call(
    _tc_scale_body,
    grid=(N // BN,),
    in_specs=[
        pl.BlockSpec((BN, D), lambda i: (i, 0)),
        pl.BlockSpec((NC, BN, DEG_W), lambda i: (0, i, 0)),
    ],
    out_specs=[
        pl.BlockSpec((BN, D), lambda i: (i, 0)),
        pl.BlockSpec((BN, DINV_W), lambda i: (i, 0)),
    ],
    out_shape=[
        jax.ShapeDtypeStruct((N, D), jnp.float32),
        jax.ShapeDtypeStruct((N, DINV_W), jnp.float32),
    ],
)


def _tc2_body(y_ref, p_ref, dinv16_ref, wt_ref, b_ref, o_ref):
    dinv = _dinv16_of(dinv16_ref[...])
    ssum = p_ref[0] + p_ref[1] + y_ref[...]
    h = jnp.maximum(ssum * dinv[:, None] + b_ref[...], 0.0)
    z = jnp.dot(h, wt_ref[...], preferred_element_type=jnp.float32)
    o_ref[...] = z * dinv[:, None]


_tc2 = pl.pallas_call(
    _tc2_body,
    grid=(N // BN,),
    in_specs=[
        pl.BlockSpec((BN, D), lambda i: (i, 0)),
        pl.BlockSpec((NC, BN, D), lambda i: (0, i, 0)),
        pl.BlockSpec((BN, DINV_W), lambda i: (i, 0)),
        pl.BlockSpec((D, D), lambda i: (0, 0)),
        pl.BlockSpec((1, D), lambda i: (0, 0)),
    ],
    out_specs=pl.BlockSpec((BN, D), lambda i: (i, 0)),
    out_shape=jax.ShapeDtypeStruct((N, D), jnp.float32),
)


def _tc3_body(y_ref, p_ref, dinv16_ref, b_ref, o_ref):
    dinv = _dinv16_of(dinv16_ref[...])
    ssum = p_ref[0] + p_ref[1] + y_ref[...]
    o_ref[...] = jnp.maximum(ssum * dinv[:, None] + b_ref[...], 0.0)


_tc3 = pl.pallas_call(
    _tc3_body,
    grid=(N // BN,),
    in_specs=[
        pl.BlockSpec((BN, D), lambda i: (i, 0)),
        pl.BlockSpec((NC, BN, D), lambda i: (0, i, 0)),
        pl.BlockSpec((BN, DINV_W), lambda i: (i, 0)),
        pl.BlockSpec((1, D), lambda i: (0, 0)),
    ],
    out_specs=pl.BlockSpec((BN, D), lambda i: (i, 0)),
    out_shape=jax.ShapeDtypeStruct((N, D), jnp.float32),
)


def kernel(x, edge_index, W1, b1, W2, b2):
    row = edge_index[0]
    col = edge_index[1]
    z128 = jnp.zeros((NP, D), jnp.float32)
    ones = jnp.ones((EB, DEG_W), jnp.float32)

    deg_k, msg_k = _get_deg2(), _get_msg2()
    degp = deg_k(col, ones, z128)
    z1 = _tc_mm(x, W1.T)
    y1, dinv16 = _tc_scale(z1, degp)
    p1 = msg_k(y1, row, col, z128)
    y2 = _tc2(y1, p1, dinv16, W2.T, b1.reshape(1, D))
    p2 = msg_k(y2, row, col, z128)
    return _tc3(y2, p2, dinv16, b2.reshape(1, D))

# --- scband reference (transcript-rebuilt; emitter-appended) ---
"""Pipeline reference for scband-gconv-67688684585519 (READ-ONLY COPY).

The authoritative reference and input builder live on the scoring server;
editing this copy changes nothing except your own understanding.
"""

import jax, jax.numpy as jnp
import numpy as np

N = 10000
E = 320000
D = 128
H = 128

def setup_inputs(seed: int = 0) -> dict:
    key = jax.random.key(seed)
    k1, k2, k3, k4 = jax.random.split(key, 4)
    x = jax.random.normal(k1, (N, D), dtype=jnp.float32)
    edge_index = jax.random.randint(k2, (2, E), 0, N, dtype=jnp.int32)
    # Linear weights (torch Linear: out = x @ W.T), bias initialized to zero per reset_parameters
    W1 = jax.random.uniform(k3, (H, D), dtype=jnp.float32, minval=-1.0, maxval=1.0) / np.sqrt(D)
    b1 = jnp.zeros((H,), dtype=jnp.float32)
    W2 = jax.random.uniform(k4, (H, H), dtype=jnp.float32, minval=-1.0, maxval=1.0) / np.sqrt(H)
    b2 = jnp.zeros((H,), dtype=jnp.float32)
    return {"x": x, "edge_index": edge_index, "W1": W1, "b1": b1, "W2": W2, "b2": b2}

def _mix_pass_low(z, edge_index, W, b, n_nodes):
    # x = self.lin(x)
    z = z @ W.T
    # add_self_loops
    loops = jnp.arange(n_nodes, dtype=edge_index.dtype)
    row = jnp.concatenate([edge_index[0], loops])
    col = jnp.concatenate([edge_index[1], loops])
    # deg = degree(col, N); deg_inv_sqrt with inf -> 0
    deg = jax.ops.segment_sum(jnp.ones_like(col, dtype=z.dtype), col, num_segments=n_nodes)
    deg_inv_sqrt = jnp.where(deg > 0, deg ** -0.5, 0.0)
    norm = deg_inv_sqrt[row] * deg_inv_sqrt[col]
    # message: norm * x_j (x_j = x[row]); aggr='add' at col
    msg = norm[:, None] * z[row]
    out = jax.ops.segment_sum(msg, col, num_segments=n_nodes)
    out = out + b
    return out

def reference(x, edge_index, W1, b1, W2, b2):
    n_nodes = x.shape[0]
    z = _mix_pass_low(x, edge_index, W1, b1, n_nodes)
    z = jax.nn.relu(z)
    z = _mix_pass_low(z, edge_index, W2, b2, n_nodes)
    z = jax.nn.relu(z)
    return z

if __name__ == "__main__":
    import jax
    _d = setup_inputs()
    print(jax.jit(kernel)(*tuple(_d.values())))

</pallas_src>

<mosaic_0001>
#map = affine_map<(d0, d1) -> (0, 0)>
#map1 = affine_map<(d0, d1) -> (0)>
#map2 = affine_map<(d0, d1) -> (0, 0, 0)>
module attributes {stable_mosaic.version = 14 : i64} {
  func.func @_msg2_body(%arg0: i32, %arg1: i32, %arg2: memref<10000x128xf32, #tpu.memory_space<hbm>>, %arg3: memref<320000xi32, #tpu.memory_space<hbm>>, %arg4: memref<320000xi32, #tpu.memory_space<hbm>>, %arg5: memref<10240x128xf32, #tpu.memory_space<hbm>>, %arg6: memref<2x10240x128xf32, #tpu.memory_space<hbm>>, %arg7: memref<10000xi32, #tpu.memory_space<vmem>>, %arg8: memref<3x80xi32, #tpu.memory_space<vmem>>, %arg9: memref<3x80x128xf32, #tpu.memory_space<vmem>>, %arg10: memref<10240x128xf32, #tpu.memory_space<vmem_shared>>, %arg11: memref<!tpu.dma_semaphore, #tpu.memory_space<semaphore_mem>>, %arg12: memref<!tpu.dma_semaphore, #tpu.memory_space<semaphore_mem>>, %arg13: memref<!tpu.dma_semaphore, #tpu.memory_space<semaphore_mem>>, %arg14: memref<!tpu.dma_semaphore, #tpu.memory_space<semaphore_mem>>, %arg15: memref<!tpu.dma_semaphore, #tpu.memory_space<semaphore_mem>>, %arg16: memref<!tpu.dma_semaphore, #tpu.memory_space<semaphore_mem>>) attributes {dimension_semantics = [#tpu.dimension_semantics<core_parallel>, #tpu.dimension_semantics<subcore_parallel>], iteration_bounds = array<i64: 2, 16>, scalar_prefetch = 0 : i64, scratch_operands = 10 : i64, tpu.core_type = #tpu.core_type<sc_vector_subcore>, window_params = [{transform_indices = #map}, {transform_indices = #map1}, {transform_indices = #map1}, {transform_indices = #map}, {transform_indices = #map2}]} {
    %mul3A = arith.constant 2 : i32
    %mul3A_0 = arith.muli %arg1, %mul3A : i32
    %add3A = arith.addi %mul3A_0, %arg0 : i32
    %mul3A_1 = arith.constant 640 : i32
    %mul3A_2 = arith.muli %arg1, %mul3A_1 : i32
    %mul3A_3 = arith.constant 10000 : i32
    %mul3A_4 = arith.muli %add3A, %mul3A_3 : i32
    %multiple_of3A = tpu.assume_multiple %mul3A_4, 80 : i32
    "tpu.region"() ({
      %run_scoped3A = tpu.sem_alloc : memref<!tpu.dma_semaphore, #tpu.memory_space<semaphore_mem>>
      %dma_start3A_54 = tpu.memref_slice %arg3[%multiple_of3A] : memref<320000xi32, #tpu.memory_space<hbm>> -> memref<10000xi32, #tpu.memory_space<hbm>>
      %dma_start3A_55 = tpu.memref_slice %arg3[%multiple_of3A] : memref<320000xi32, #tpu.memory_space<hbm>> -> memref<10000xi32, #tpu.memory_space<hbm>>
      tpu.enqueue_dma source(%dma_start3A_55 : memref<10000xi32, #tpu.memory_space<hbm>>) target(%arg7 : memref<10000xi32, #tpu.memory_space<vmem>>) target_semaphore(%run_scoped3A : memref<!tpu.dma_semaphore, #tpu.memory_space<semaphore_mem>>)
      %dma_wait3A = tpu.memref_slice %arg3[%multiple_of3A] : memref<320000xi32, #tpu.memory_space<hbm>> -> memref<10000xi32, #tpu.memory_space<hbm>>
      %dma_wait3A_56 = tpu.memref_slice %arg3[%multiple_of3A] : memref<320000xi32, #tpu.memory_space<hbm>> -> memref<10000xi32, #tpu.memory_space<hbm>>
      tpu.wait_dma2 semaphore(%run_scoped3A : memref<!tpu.dma_semaphore, #tpu.memory_space<semaphore_mem>>) src(%dma_wait3A_56 : memref<10000xi32, #tpu.memory_space<hbm>>) dst(%arg7 : memref<10000xi32, #tpu.memory_space<vmem>>)
      tpu.yield
    }) : () -> ()
    "tpu.region"() ({
      %run_scoped3A = tpu.sem_alloc : memref<!tpu.dma_semaphore, #tpu.memory_space<semaphore_mem>>
      %dma_start3A_54 = arith.constant 0 : i32
      %dma_start3A_55 = tpu.memref_slice %arg10[%mul3A_2, %dma_start3A_54] : memref<10240x128xf32, #tpu.memory_space<vmem_shared>> -> memref<640x128xf32, #tpu.memory_space<vmem_shared>>
      %dma_start3A_56 = arith.constant 0 : i32
      %dma_start3A_57 = tpu.memref_slice %arg5[%mul3A_2, %dma_start3A_56] : memref<10240x128xf32, #tpu.memory_space<hbm>> -> memref<640x128xf32, #tpu.memory_space<hbm>>
      tpu.enqueue_dma source(%dma_start3A_57 : memref<640x128xf32, #tpu.memory_space<hbm>>) target(%dma_start3A_55 : memref<640x128xf32, #tpu.memory_space<vmem_shared>>) target_semaphore(%run_scoped3A : memref<!tpu.dma_semaphore, #tpu.memory_space<semaphore_mem>>)
      %dma_wait3A = arith.constant 0 : i32
      %dma_wait3A_58 = tpu.memref_slice %arg10[%mul3A_2, %dma_wait3A] : memref<10240x128xf32, #tpu.memory_space<vmem_shared>> -> memref<640x128xf32, #tpu.memory_space<vmem_shared>>
      %dma_wait3A_59 = arith.constant 0 : i32
      %dma_wait3A_60 = tpu.memref_slice %arg5[%mul3A_2, %dma_wait3A_59] : memref<10240x128xf32, #tpu.memory_space<hbm>> -> memref<640x128xf32, #tpu.memory_space<hbm>>
      tpu.wait_dma2 semaphore(%run_scoped3A : memref<!tpu.dma_semaphore, #tpu.memory_space<semaphore_mem>>) src(%dma_wait3A_60 : memref<640x128xf32, #tpu.memory_space<hbm>>) dst(%dma_wait3A_58 : memref<640x128xf32, #tpu.memory_space<vmem_shared>>)
      tpu.yield
    }) : () -> ()
    %barrier3A = arith.constant 0 : index
    tpu.barrier barrier_id(%barrier3A)
    %add3A_5 = arith.constant 0 : i32
    %add3A_6 = arith.addi %multiple_of3A, %add3A_5 : i32
    %multiple_of3A_7 = tpu.assume_multiple %add3A_6, 80 : i32
    %dma_start3A = arith.constant 0 : i32
    %dma_start3A_8 = arith.constant 0 : i32
    %dma_start3A_9 = tpu.memref_slice %arg8[%dma_start3A, %dma_start3A_8] : memref<3x80xi32, #tpu.memory_space<vmem>> -> memref<1x80xi32, #tpu.memory_space<vmem>>
    %dma_start3A_10 = tpu.memref_squeeze %dma_start3A_9 : memref<1x80xi32, #tpu.memory_space<vmem>> -> memref<80xi32, #tpu.memory_space<vmem>>
    %dma_start3A_11 = tpu.memref_slice %arg4[%multiple_of3A_7] : memref<320000xi32, #tpu.memory_space<hbm>> -> memref<80xi32, #tpu.memory_space<hbm>>
    %dma_start3A_12 = arith.constant 0 : i32
    %dma_start3A_13 = tpu.memref_slice %arg8[%dma_start3A, %dma_start3A_12] : memref<3x80xi32, #tpu.memory_space<vmem>> -> memref<1x80xi32, #tpu.memory_space<vmem>>
    %dma_start3A_14 = tpu.memref_squeeze %dma_start3A_13 : memref<1x80xi32, #tpu.memory_space<vmem>> -> memref<80xi32, #tpu.memory_space<vmem>>
    %dma_start3A_15 = tpu.memref_slice %arg4[%multiple_of3A_7] : memref<320000xi32, #tpu.memory_space<hbm>> -> memref<80xi32, #tpu.memory_space<hbm>>
    tpu.enqueue_dma source(%dma_start3A_15 : memref<80xi32, #tpu.memory_space<hbm>>) target(%dma_start3A_14 : memref<80xi32, #tpu.memory_space<vmem>>) target_semaphore(%arg14 : memref<!tpu.dma_semaphore, #tpu.memory_space<semaphore_mem>>)
    %dma_start3A_16 = arith.constant 0 : i32
    %dma_start3A_17 = arith.constant 0 : i32
    %dma_start3A_18 = arith.constant 0 : i32
    %dma_start3A_19 = tpu.memref_slice %arg9[%dma_start3A_16, %dma_start3A_17, %dma_start3A_18] : memref<3x80x128xf32, #tpu.memory_space<vmem>> -> memref<1x80x128xf32, #tpu.memory_space<vmem>>
    %dma_start3A_20 = tpu.memref_squeeze %dma_start3A_19 : memref<1x80x128xf32, #tpu.memory_space<vmem>> -> memref<80x128xf32, #tpu.memory_space<vmem>>
    %dma_start3A_21 = arith.constant 0 : i32
    %dma_start3A_22 = tpu.memref_slice %arg7[%dma_start3A_21] : memref<10000xi32, #tpu.memory_space<vmem>> -> memref<80xi32, #tpu.memory_space<vmem>>
    %dma_start3A_23 = arith.constant 0 : i32
    %dma_start3A_24 = arith.constant 0 : i32
    %dma_start3A_25 = tpu.memref_slice %arg2[%dma_start3A_23, %dma_start3A_24] : memref<10000x128xf32, #tpu.memory_space<hbm>> -> memref<10000x128xf32, #tpu.memory_space<hbm>>
    tpu.enqueue_indirect_dma source(%dma_start3A_25 : memref<10000x128xf32, #tpu.memory_space<hbm>>) target(%dma_start3A_20 : memref<80x128xf32, #tpu.memory_space<vmem>>) offsets(%dma_start3A_22 : memref<80xi32, #tpu.memory_space<vmem>>) semaphore(%arg11 : memref<!tpu.dma_semaphore, #tpu.memory_space<semaphore_mem>>)
    %add3A_26 = arith.constant 80 : i32
    %add3A_27 = arith.addi %multiple_of3A, %add3A_26 : i32
    %multiple_of3A_28 = tpu.assume_multiple %add3A_27, 80 : i32
    %dma_start3A_29 = arith.constant 1 : i32
    %dma_start3A_30 = arith.constant 0 : i32
    %dma_start3A_31 = tpu.memref_slice %arg8[%dma_start3A_29, %dma_start3A_30] : memref<3x80xi32, #tpu.memory_space<vmem>> -> memref<1x80xi32, #tpu.memory_space<vmem>>
    %dma_start3A_32 = tpu.memref_squeeze %dma_start3A_31 : memref<1x80xi32, #tpu.memory_space<vmem>> -> memref<80xi32, #tpu.memory_space<vmem>>
    %dma_start3A_33 = tpu.memref_slice %arg4[%multiple_of3A_28] : memref<320000xi32, #tpu.memory_space<hbm>> -> memref<80xi32, #tpu.memory_space<hbm>>
    %dma_start3A_34 = arith.constant 0 : i32
    %dma_start3A_35 = tpu.memref_slice %arg8[%dma_start3A_29, %dma_start3A_34] : memref<3x80xi32, #tpu.memory_space<vmem>> -> memref<1x80xi32, #tpu.memory_space<vmem>>
    %dma_start3A_36 = tpu.memref_squeeze %dma_start3A_35 : memref<1x80xi32, #tpu.memory_space<vmem>> -> memref<80xi32, #tpu.memory_space<vmem>>
    %dma_start3A_37 = tpu.memref_slice %arg4[%multiple_of3A_28] : memref<320000xi32, #tpu.memory_space<hbm>> -> memref<80xi32, #tpu.memory_space<hbm>>
    tpu.enqueue_dma source(%dma_start3A_37 : memref<80xi32, #tpu.memory_space<hbm>>) target(%dma_start3A_36 : memref<80xi32, #tpu.memory_space<vmem>>) target_semaphore(%arg15 : memref<!tpu.dma_semaphore, #tpu.memory_space<semaphore_mem>>)
    %dma_start3A_38 = arith.constant 1 : i32
    %dma_start3A_39 = arith.constant 0 : i32
    %dma_start3A_40 = arith.constant 0 : i32
    %dma_start3A_41 = tpu.memref_slice %arg9[%dma_start3A_38, %dma_start3A_39, %dma_start3A_40] : memref<3x80x128xf32, #tpu.memory_space<vmem>> -> memref<1x80x128xf32, #tpu.memory_space<vmem>>
    %dma_start3A_42 = tpu.memref_squeeze %dma_start3A_41 : memref<1x80x128xf32, #tpu.memory_space<vmem>> -> memref<80x128xf32, #tpu.memory_space<vmem>>
    %dma_start3A_43 = arith.constant 80 : i32
    %dma_start3A_44 = tpu.memref_slice %arg7[%dma_start3A_43] : memref<10000xi32, #tpu.memory_space<vmem>> -> memref<80xi32, #tpu.memory_space<vmem>>
    %dma_start3A_45 = arith.constant 0 : i32
    %dma_start3A_46 = arith.constant 0 : i32
    %dma_start3A_47 = tpu.memref_slice %arg2[%dma_start3A_45, %dma_start3A_46] : memref<10000x128xf32, #tpu.memory_space<hbm>> -> memref<10000x128xf32, #tpu.memory_space<hbm>>
    tpu.enqueue_indirect_dma source(%dma_start3A_47 : memref<10000x128xf32, #tpu.memory_space<hbm>>) target(%dma_start3A_42 : memref<80x128xf32, #tpu.memory_space<vmem>>) offsets(%dma_start3A_44 : memref<80xi32, #tpu.memory_space<vmem>>) semaphore(%arg12 : memref<!tpu.dma_semaphore, #tpu.memory_space<semaphore_mem>>)
    %scan3A = arith.constant 0 : i32
    %scan3A_48 = arith.constant 0 : i32
    %scan3A_49 = arith.constant 125 : i32
    %scan3A_50 = arith.addi %scan3A_48, %scan3A_49 : i32
    %scan3A_51 = arith.constant 1 : i32
    scf.for %scan3A_54 = %scan3A_48 to %scan3A_50 step %scan3A_51  : i32 {
      %rem3A = arith.constant 3 : i32
      %rem3A_55 = arith.remsi %scan3A_54, %rem3A : i32
      %eq3A = arith.constant 0 : i32
      %eq3A_56 = arith.cmpi eq, %rem3A_55, %eq3A : i32
      %convert_element_type3A = arith.extui %eq3A_56 : i1 to i32
      %cond3A = arith.constant 0 : i32
      %cond3A_57 = arith.cmpi ne, %convert_element_type3A, %cond3A : i32
      scf.if %cond3A_57 {
        %add3A_72 = arith.constant 3 : i32
        %add3A_73 = arith.addi %scan3A_54, %add3A_72 : i32
        %sub3A = arith.constant 1 : i32
        %sub3A_74 = arith.subi %add3A_73, %sub3A : i32
        %lt3A = arith.constant 125 : i32
        %lt3A_75 = arith.cmpi slt, %sub3A_74, %lt3A : i32
        %convert_element_type3A_76 = arith.extui %lt3A_75 : i1 to i32
        %cond3A_77 = arith.constant 0 : i32
        %cond3A_78 = arith.cmpi ne, %convert_element_type3A_76, %cond3A_77 : i32
        scf.if %cond3A_78 {
          %add3A_105 = arith.constant 3 : i32
          %add3A_106 = arith.addi %scan3A_54, %add3A_105 : i32
          %sub3A_107 = arith.constant 1 : i32
          %sub3A_108 = arith.subi %add3A_106, %sub3A_107 : i32
          %mul3A_109 = arith.constant 80 : i32
          %mul3A_110 = arith.muli %sub3A_108, %mul3A_109 : i32
          %add3A_111 = arith.addi %multiple_of3A, %mul3A_110 : i32
          %multiple_of3A_112 = tpu.assume_multiple %add3A_111, 80 : i32
          %dma_start3A_113 = arith.constant 2 : i32
          %dma_start3A_114 = arith.constant 0 : i32
          %dma_start3A_115 = tpu.memref_slice %arg8[%dma_start3A_113, %dma_start3A_114] : memref<3x80xi32, #tpu.memory_space<vmem>> -> memref<1x80xi32, #tpu.memory_space<vmem>>
          %dma_start3A_116 = tpu.memref_squeeze %dma_start3A_115 : memref<1x80xi32, #tpu.memory_space<vmem>> -> memref<80xi32, #tpu.memory_space<vmem>>
          %dma_start3A_117 = tpu.memref_slice %arg4[%multiple_of3A_112] : memref<320000xi32, #tpu.memory_space<hbm>> -> memref<80xi32, #tpu.memory_space<hbm>>
          %dma_start3A_118 = arith.constant 0 : i32
          %dma_start3A_119 = tpu.memref_slice %arg8[%dma_start3A_113, %dma_start3A_118] : memref<3x80xi32, #tpu.memory_space<vmem>> -> memref<1x80xi32, #tpu.memory_space<vmem>>
          %dma_start3A_120 = tpu.memref_squeeze %dma_start3A_119 : memref<1x80xi32, #tpu.memory_space<vmem>> -> memref<80xi32, #tpu.memory_space<vmem>>
          %dma_start3A_121 = tpu.memref_slice %arg4[%multiple_of3A_112] : memref<320000xi32, #tpu.memory_space<hbm>> -> memref<80xi32, #tpu.memory_space<hbm>>
          tpu.enqueue_dma source(%dma_start3A_121 : memref<80xi32, #tpu.memory_space<hbm>>) target(%dma_start3A_120 : memref<80xi32, #tpu.memory_space<vmem>>) target_semaphore(%arg16 : memref<!tpu.dma_semaphore, #tpu.memory_space<semaphore_mem>>)
          %mul3A_122 = arith.constant 80 : i32
          %mul3A_123 = arith.muli %sub3A_108, %mul3A_122 : i32
          %dma_start3A_124 = arith.constant 2 : i32
          %dma_start3A_125 = arith.constant 0 : i32
          %dma_start3A_126 = arith.constant 0 : i32
          %dma_start3A_127 = tpu.memref_slice %arg9[%dma_start3A_124, %dma_start3A_125, %dma_start3A_126] : memref<3x80x128xf32, #tpu.memory_space<vmem>> -> memref<1x80x128xf32, #tpu.memory_space<vmem>>
          %dma_start3A_128 = tpu.memref_squeeze %dma_start3A_127 : memref<1x80x128xf32, #tpu.memory_space<vmem>> -> memref<80x128xf32, #tpu.memory_space<vmem>>
          %dma_start3A_129 = tpu.memref_slice %arg7[%mul3A_123] : memref<10000xi32, #tpu.memory_space<vmem>> -> memref<80xi32, #tpu.memory_space<vmem>>
          %dma_start3A_130 = arith.constant 0 : i32
          %dma_start3A_131 = arith.constant 0 : i32
          %dma_start3A_132 = tpu.memref_slice %arg2[%dma_start3A_130, %dma_start3A_131] : memref<10000x128xf32, #tpu.memory_space<hbm>> -> memref<10000x128xf32, #tpu.memory_space<hbm>>
          tpu.enqueue_indirect_dma source(%dma_start3A_132 : memref<10000x128xf32, #tpu.memory_space<hbm>>) target(%dma_start3A_128 : memref<80x128xf32, #tpu.memory_space<vmem>>) offsets(%dma_start3A_129 : memref<80xi32, #tpu.memory_space<vmem>>) semaphore(%arg13 : memref<!tpu.dma_semaphore, #tpu.memory_space<semaphore_mem>>)
        } else {
        }
        %dma_wait3A = arith.constant 0 : i32
        %dma_wait3A_79 = arith.constant 0 : i32
        %dma_wait3A_80 = tpu.memref_slice %arg8[%dma_wait3A, %dma_wait3A_79] : memref<3x80xi32, #tpu.memory_space<vmem>> -> memref<1x80xi32, #tpu.memory_space<vmem>>
        %dma_wait3A_81 = tpu.memref_squeeze %dma_wait3A_80 : memref<1x80xi32, #tpu.memory_space<vmem>> -> memref<80xi32, #tpu.memory_space<vmem>>
        %dma_wait3A_82 = arith.constant 0 : i32
        %dma_wait3A_83 = tpu.memref_slice %arg4[%dma_wait3A_82] : memref<320000xi32, #tpu.memory_space<hbm>> -> memref<80xi32, #tpu.memory_space<hbm>>
        %dma_wait3A_84 = arith.constant 0 : i32
        %dma_wait3A_85 = tpu.memref_slice %arg8[%dma_wait3A, %dma_wait3A_84] : memref<3x80xi32, #tpu.memory_space<vmem>> -> memref<1x80xi32, #tpu.memory_space<vmem>>
        %dma_wait3A_86 = tpu.memref_squeeze %dma_wait3A_85 : memref<1x80xi32, #tpu.memory_space<vmem>> -> memref<80xi32, #tpu.memory_space<vmem>>
        %dma_wait3A_87 = arith.constant 0 : i32
        %dma_wait3A_88 = tpu.memref_slice %arg4[%dma_wait3A_87] : memref<320000xi32, #tpu.memory_space<hbm>> -> memref<80xi32, #tpu.memory_space<hbm>>
        tpu.wait_dma2 semaphore(%arg14 : memref<!tpu.dma_semaphore, #tpu.memory_space<semaphore_mem>>) src(%dma_wait3A_88 : memref<80xi32, #tpu.memory_space<hbm>>) dst(%dma_wait3A_86 : memref<80xi32, #tpu.memory_space<vmem>>)
        %dma_wait3A_89 = arith.constant 0 : i32
        %dma_wait3A_90 = arith.constant 0 : i32
        %dma_wait3A_91 = arith.constant 0 : i32
        %dma_wait3A_92 = tpu.memref_slice %arg9[%dma_wait3A_89, %dma_wait3A_90, %dma_wait3A_91] : memref<3x80x128xf32, #tpu.memory_space<vmem>> -> memref<1x80x128xf32, #tpu.memory_space<vmem>>
        %dma_wait3A_93 = tpu.memref_squeeze %dma_wait3A_92 : memref<1x80x128xf32, #tpu.memory_space<vmem>> -> memref<80x128xf32, #tpu.memory_space<vmem>>
        %dma_wait3A_94 = arith.constant 0 : i32
        %dma_wait3A_95 = arith.constant 0 : i32
        %dma_wait3A_96 = tpu.memref_slice %arg2[%dma_wait3A_94, %dma_wait3A_95] : memref<10000x128xf32, #tpu.memory_space<hbm>> -> memref<80x128xf32, #tpu.memory_space<hbm>>
        %dma_wait3A_97 = arith.constant 0 : i32
        %dma_wait3A_98 = arith.constant 0 : i32
        %dma_wait3A_99 = tpu.memref_slice %arg9[%dma_wait3A_89, %dma_wait3A_97, %dma_wait3A_98] : memref<3x80x128xf32, #tpu.memory_space<vmem>> -> memref<1x80x128xf32, #tpu.memory_space<vmem>>
        %dma_wait3A_100 = tpu.memref_squeeze %dma_wait3A_99 : memref<1x80x128xf32, #tpu.memory_space<vmem>> -> memref<80x128xf32, #tpu.memory_space<vmem>>
        %dma_wait3A_101 = arith.constant 0 : i32
        %dma_wait3A_102 = arith.constant 0 : i32
        %dma_wait3A_103 = tpu.memref_slice %arg2[%dma_wait3A_101, %dma_wait3A_102] : memref<10000x128xf32, #tpu.memory_space<hbm>> -> memref<80x128xf32, #tpu.memory_space<hbm>>
        tpu.wait_dma2 semaphore(%arg11 : memref<!tpu.dma_semaphore, #tpu.memory_space<semaphore_mem>>) src(%dma_wait3A_103 : memref<80x128xf32, #tpu.memory_space<hbm>>) dst(%dma_wait3A_100 : memref<80x128xf32, #tpu.memory_space<vmem>>)
        %run_scoped3A = arith.constant 0 : i32
        %run_scoped3A_104 = arith.constant 0 : i32
        "tpu.region"() ({
          %run_scoped3A_105 = tpu.sem_alloc : memref<!tpu.dma_semaphore, #tpu.memory_space<semaphore_mem>>
          %dma_start3A_106 = arith.constant 0 : i32
          %dma_start3A_107 = arith.constant 0 : i32
          %dma_start3A_108 = tpu.memref_slice %arg9[%run_scoped3A, %dma_start3A_106, %dma_start3A_107] : memref<3x80x128xf32, #tpu.memory_space<vmem>> -> memref<1x80x128xf32, #tpu.memory_space<vmem>>
          %dma_start3A_109 = tpu.memref_squeeze %dma_start3A_108 : memref<1x80x128xf32, #tpu.memory_space<vmem>> -> memref<80x128xf32, #tpu.memory_space<vmem>>
          %dma_start3A_110 = arith.constant 0 : i32
          %dma_start3A_111 = tpu.memref_slice %arg8[%run_scoped3A_104, %dma_start3A_110] : memref<3x80xi32, #tpu.memory_space<vmem>> -> memref<1x80xi32, #tpu.memory_space<vmem>>
          %dma_start3A_112 = tpu.memref_squeeze %dma_start3A_111 : memref<1x80xi32, #tpu.memory_space<vmem>> -> memref<80xi32, #tpu.memory_space<vmem>>
          %dma_start3A_113 = arith.constant 0 : i32
          %dma_start3A_114 = arith.constant 0 : i32
          %dma_start3A_115 = tpu.memref_slice %arg10[%dma_start3A_113, %dma_start3A_114] : memref<10240x128xf32, #tpu.memory_space<vmem_shared>> -> memref<10240x128xf32, #tpu.memory_space<vmem_shared>>
          tpu.enqueue_indirect_dma source(%dma_start3A_109 : memref<80x128xf32, #tpu.memory_space<vmem>>) target(%dma_start3A_115 : memref<10240x128xf32, #tpu.memory_space<vmem_shared>>) offsets(%dma_start3A_112 : memref<80xi32, #tpu.memory_space<vmem>>) semaphore(%run_scoped3A_105 : memref<!tpu.dma_semaphore, #tpu.memory_space<semaphore_mem>>) {add = true}
          %dma_wait3A_116 = arith.constant 0 : i32
          %dma_wait3A_117 = arith.constant 0 : i32
          %dma_wait3A_118 = tpu.memref_slice %arg9[%run_scoped3A, %dma_wait3A_116, %dma_wait3A_117] : memref<3x80x128xf32, #tpu.memory_space<vmem>> -> memref<1x80x128xf32, #tpu.memory_space<vmem>>
          %dma_wait3A_119 = tpu.memref_squeeze %dma_wait3A_118 : memref<1x80x128xf32, #tpu.memory_space<vmem>> -> memref<80x128xf32, #tpu.memory_space<vmem>>
          %dma_wait3A_120 = arith.constant 0 : i32
          %dma_wait3A_121 = tpu.memref_slice %arg8[%run_scoped3A_104, %dma_wait3A_120] : memref<3x80xi32, #tpu.memory_space<vmem>> -> memref<1x80xi32, #tpu.memory_space<vmem>>
          %dma_wait3A_122 = tpu.memref_squeeze %dma_wait3A_121 : memref<1x80xi32, #tpu.memory_space<vmem>> -> memref<80xi32, #tpu.memory_space<vmem>>
          %dma_wait3A_123 = arith.constant 0 : i32
          %dma_wait3A_124 = arith.constant 0 : i32
          %dma_wait3A_125 = tpu.memref_slice %arg10[%dma_wait3A_123, %dma_wait3A_124] : memref<10240x128xf32, #tpu.memory_space<vmem_shared>> -> memref<10240x128xf32, #tpu.memory_space<vmem_shared>>
          tpu.wait_indirect_dma semaphore(%run_scoped3A_105 : memref<!tpu.dma_semaphore, #tpu.memory_space<semaphore_mem>>) src(%dma_wait3A_119 : memref<80x128xf32, #tpu.memory_space<vmem>>) dst(%dma_wait3A_125 : memref<10240x128xf32, #tpu.memory_space<vmem_shared>>)
          tpu.yield
        }) : () -> ()
      } else {
      }
      %rem3A_58 = arith.constant 3 : i32
      %rem3A_59 = arith.remsi %scan3A_54, %rem3A_58 : i32
      %eq3A_60 = arith.constant 1 : i32
      %eq3A_61 = arith.cmpi eq, %rem3A_59, %eq3A_60 : i32
      %convert_element_type3A_62 = arith.extui %eq3A_61 : i1 to i32
      %cond3A_63 = arith.constant 0 : i32
      %cond3A_64 = arith.cmpi ne, %convert_element_type3A_62, %cond3A_63 : i32
      scf.if %cond3A_64 {
        %add3A_72 = arith.constant 3 : i32
        %add3A_73 = arith.addi %scan3A_54, %add3A_72 : i32
        %sub3A = arith.constant 1 : i32
        %sub3A_74 = arith.subi %add3A_73, %sub3A : i32
        %lt3A = arith.constant 125 : i32
        %lt3A_75 = arith.cmpi slt, %sub3A_74, %lt3A : i32
        %convert_element_type3A_76 = arith.extui %lt3A_75 : i1 to i32
        %cond3A_77 = arith.constant 0 : i32
        %cond3A_78 = arith.cmpi ne, %convert_element_type3A_76, %cond3A_77 : i32
        scf.if %cond3A_78 {
          %add3A_105 = arith.constant 3 : i32
          %add3A_106 = arith.addi %scan3A_54, %add3A_105 : i32
          %sub3A_107 = arith.constant 1 : i32
          %sub3A_108 = arith.subi %add3A_106, %sub3A_107 : i32
          %mul3A_109 = arith.constant 80 : i32
          %mul3A_110 = arith.muli %sub3A_108, %mul3A_109 : i32
          %add3A_111 = arith.addi %multiple_of3A, %mul3A_110 : i32
          %multiple_of3A_112 = tpu.assume_multiple %add3A_111, 80 : i32
          %dma_start3A_113 = arith.constant 0 : i32
          %dma_start3A_114 = arith.constant 0 : i32
          %dma_start3A_115 = tpu.memref_slice %arg8[%dma_start3A_113, %dma_start3A_114] : memref<3x80xi32, #tpu.memory_space<vmem>> -> memref<1x80xi32, #tpu.memory_space<vmem>>
          %dma_start3A_116 = tpu.memref_squeeze %dma_start3A_115 : memref<1x80xi32, #tpu.memory_space<vmem>> -> memref<80xi32, #tpu.memory_space<vmem>>
          %dma_start3A_117 = tpu.memref_slice %arg4[%multiple_of3A_112] : memref<320000xi32, #tpu.memory_space<hbm>> -> memref<80xi32, #tpu.memory_space<hbm>>
          %dma_start3A_118 = arith.constant 0 : i32
          %dma_start3A_119 = tpu.memref_slice %arg8[%dma_start3A_113, %dma_start3A_118] : memref<3x80xi32, #tpu.memory_space<vmem>> -> memref<1x80xi32, #tpu.memory_space<vmem>>
          %dma_start3A_120 = tpu.memref_squeeze %dma_start3A_119 : memref<1x80xi32, #tpu.memory_space<vmem>> -> memref<80xi32, #tpu.memory_space<vmem>>
          %dma_start3A_121 = tpu.memref_slice %arg4[%multiple_of3A_112] : memref<320000xi32, #tpu.memory_space<hbm>> -> memref<80xi32, #tpu.memory_space<hbm>>
          tpu.enqueue_dma source(%dma_start3A_121 : memref<80xi32, #tpu.memory_space<hbm>>) target(%dma_start3A_120 : memref<80xi32, #tpu.memory_space<vmem>>) target_semaphore(%arg14 : memref<!tpu.dma_semaphore, #tpu.memory_space<semaphore_mem>>)
          %mul3A_122 = arith.constant 80 : i32
          %mul3A_123 = arith.muli %sub3A_108, %mul3A_122 : i32
          %dma_start3A_124 = arith.constant 0 : i32
          %dma_start3A_125 = arith.constant 0 : i32
          %dma_start3A_126 = arith.constant 0 : i32
          %dma_start3A_127 = tpu.memref_slice %arg9[%dma_start3A_124, %dma_start3A_125, %dma_start3A_126] : memref<3x80x128xf32, #tpu.memory_space<vmem>> -> memref<1x80x128xf32, #tpu.memory_space<vmem>>
          %dma_start3A_128 = tpu.memref_squeeze %dma_start3A_127 : memref<1x80x128xf32, #tpu.memory_space<vmem>> -> memref<80x128xf32, #tpu.memory_space<vmem>>
          %dma_start3A_129 = tpu.memref_slice %arg7[%mul3A_123] : memref<10000xi32, #tpu.memory_space<vmem>> -> memref<80xi32, #tpu.memory_space<vmem>>
          %dma_start3A_130 = arith.constant 0 : i32
          %dma_start3A_131 = arith.constant 0 : i32
          %dma_start3A_132 = tpu.memref_slice %arg2[%dma_start3A_130, %dma_start3A_131] : memref<10000x128xf32, #tpu.memory_space<hbm>> -> memref<10000x128xf32, #tpu.memory_space<hbm>>
          tpu.enqueue_indirect_dma source(%dma_start3A_132 : memref<10000x128xf32, #tpu.memory_space<hbm>>) target(%dma_start3A_128 : memref<80x128xf32, #tpu.memory_space<vmem>>) offsets(%dma_start3A_129 : memref<80xi32, #tpu.memory_space<vmem>>) semaphore(%arg11 : memref<!tpu.dma_semaphore, #tpu.memory_space<semaphore_mem>>)
        } else {
        }
        %dma_wait3A = arith.constant 1 : i32
        %dma_wait3A_79 = arith.constant 0 : i32
        %dma_wait3A_80 = tpu.memref_slice %arg8[%dma_wait3A, %dma_wait3A_79] : memref<3x80xi32, #tpu.memory_space<vmem>> -> memref<1x80xi32, #tpu.memory_space<vmem>>
        %dma_wait3A_81 = tpu.memref_squeeze %dma_wait3A_80 : memref<1x80xi32, #tpu.memory_space<vmem>> -> memref<80xi32, #tpu.memory_space<vmem>>
        %dma_wait3A_82 = arith.constant 0 : i32
        %dma_wait3A_83 = tpu.memref_slice %arg4[%dma_wait3A_82] : memref<320000xi32, #tpu.memory_space<hbm>> -> memref<80xi32, #tpu.memory_space<hbm>>
        %dma_wait3A_84 = arith.constant 0 : i32
        %dma_wait3A_85 = tpu.memref_slice %arg8[%dma_wait3A, %dma_wait3A_84] : memref<3x80xi32, #tpu.memory_space<vmem>> -> memref<1x80xi32, #tpu.memory_space<vmem>>
        %dma_wait3A_86 = tpu.memref_squeeze %dma_wait3A_85 : memref<1x80xi32, #tpu.memory_space<vmem>> -> memref<80xi32, #tpu.memory_space<vmem>>
        %dma_wait3A_87 = arith.constant 0 : i32
        %dma_wait3A_88 = tpu.memref_slice %arg4[%dma_wait3A_87] : memref<320000xi32, #tpu.memory_space<hbm>> -> memref<80xi32, #tpu.memory_space<hbm>>
        tpu.wait_dma2 semaphore(%arg15 : memref<!tpu.dma_semaphore, #tpu.memory_space<semaphore_mem>>) src(%dma_wait3A_88 : memref<80xi32, #tpu.memory_space<hbm>>) dst(%dma_wait3A_86 : memref<80xi32, #tpu.memory_space<vmem>>)
        %dma_wait3A_89 = arith.constant 1 : i32
        %dma_wait3A_90 = arith.constant 0 : i32
        %dma_wait3A_91 = arith.constant 0 : i32
        %dma_wait3A_92 = tpu.memref_slice %arg9[%dma_wait3A_89, %dma_wait3A_90, %dma_wait3A_91] : memref<3x80x128xf32, #tpu.memory_space<vmem>> -> memref<1x80x128xf32, #tpu.memory_space<vmem>>
        %dma_wait3A_93 = tpu.memref_squeeze %dma_wait3A_92 : memref<1x80x128xf32, #tpu.memory_space<vmem>> -> memref<80x128xf32, #tpu.memory_space<vmem>>
        %dma_wait3A_94 = arith.constant 0 : i32
        %dma_wait3A_95 = arith.constant 0 : i32
        %dma_wait3A_96 = tpu.memref_slice %arg2[%dma_wait3A_94, %dma_wait3A_95] : memref<10000x128xf32, #tpu.memory_space<hbm>> -> memref<80x128xf32, #tpu.memory_space<hbm>>
        %dma_wait3A_97 = arith.constant 0 : i32
        %dma_wait3A_98 = arith.constant 0 : i32
        %dma_wait3A_99 = tpu.memref_slice %arg9[%dma_wait3A_89, %dma_wait3A_97, %dma_wait3A_98] : memref<3x80x128xf32, #tpu.memory_space<vmem>> -> memref<1x80x128xf32, #tpu.memory_space<vmem>>
        %dma_wait3A_100 = tpu.memref_squeeze %dma_wait3A_99 : memref<1x80x128xf32, #tpu.memory_space<vmem>> -> memref<80x128xf32, #tpu.memory_space<vmem>>
        %dma_wait3A_101 = arith.constant 0 : i32
        %dma_wait3A_102 = arith.constant 0 : i32
        %dma_wait3A_103 = tpu.memref_slice %arg2[%dma_wait3A_101, %dma_wait3A_102] : memref<10000x128xf32, #tpu.memory_space<hbm>> -> memref<80x128xf32, #tpu.memory_space<hbm>>
        tpu.wait_dma2 semaphore(%arg12 : memref<!tpu.dma_semaphore, #tpu.memory_space<semaphore_mem>>) src(%dma_wait3A_103 : memref<80x128xf32, #tpu.memory_space<hbm>>) dst(%dma_wait3A_100 : memref<80x128xf32, #tpu.memory_space<vmem>>)
        %run_scoped3A = arith.constant 1 : i32
        %run_scoped3A_104 = arith.constant 1 : i32
        "tpu.region"() ({
          %run_scoped3A_105 = tpu.sem_alloc : memref<!tpu.dma_semaphore, #tpu.memory_space<semaphore_mem>>
          %dma_start3A_106 = arith.constant 0 : i32
          %dma_start3A_107 = arith.constant 0 : i32
          %dma_start3A_108 = tpu.memref_slice %arg9[%run_scoped3A, %dma_start3A_106, %dma_start3A_107] : memref<3x80x128xf32, #tpu.memory_space<vmem>> -> memref<1x80x128xf32, #tpu.memory_space<vmem>>
          %dma_start3A_109 = tpu.memref_squeeze %dma_start3A_108 : memref<1x80x128xf32, #tpu.memory_space<vmem>> -> memref<80x128xf32, #tpu.memory_space<vmem>>
          %dma_start3A_110 = arith.constant 0 : i32
          %dma_start3A_111 = tpu.memref_slice %arg8[%run_scoped3A_104, %dma_start3A_110] : memref<3x80xi32, #tpu.memory_space<vmem>> -> memref<1x80xi32, #tpu.memory_space<vmem>>
          %dma_start3A_112 = tpu.memref_squeeze %dma_start3A_111 : memref<1x80xi32, #tpu.memory_space<vmem>> -> memref<80xi32, #tpu.memory_space<vmem>>
          %dma_start3A_113 = arith.constant 0 : i32
          %dma_start3A_114 = arith.constant 0 : i32
          %dma_start3A_115 = tpu.memref_slice %arg10[%dma_start3A_113, %dma_start3A_114] : memref<10240x128xf32, #tpu.memory_space<vmem_shared>> -> memref<10240x128xf32, #tpu.memory_space<vmem_shared>>
          tpu.enqueue_indirect_dma source(%dma_start3A_109 : memref<80x128xf32, #tpu.memory_space<vmem>>) target(%dma_start3A_115 : memref<10240x128xf32, #tpu.memory_space<vmem_shared>>) offsets(%dma_start3A_112 : memref<80xi32, #tpu.memory_space<vmem>>) semaphore(%run_scoped3A_105 : memref<!tpu.dma_semaphore, #tpu.memory_space<semaphore_mem>>) {add = true}
          %dma_wait3A_116 = arith.constant 0 : i32
          %dma_wait3A_117 = arith.constant 0 : i32
          %dma_wait3A_118 = tpu.memref_slice %arg9[%run_scoped3A, %dma_wait3A_116, %dma_wait3A_117] : memref<3x80x128xf32, #tpu.memory_space<vmem>> -> memref<1x80x128xf32, #tpu.memory_space<vmem>>
          %dma_wait3A_119 = tpu.memref_squeeze %dma_wait3A_118 : memref<1x80x128xf32, #tpu.memory_space<vmem>> -> memref<80x128xf32, #tpu.memory_space<vmem>>
          %dma_wait3A_120 = arith.constant 0 : i32
          %dma_wait3A_121 = tpu.memref_slice %arg8[%run_scoped3A_104, %dma_wait3A_120] : memref<3x80xi32, #tpu.memory_space<vmem>> -> memref<1x80xi32, #tpu.memory_space<vmem>>
          %dma_wait3A_122 = tpu.memref_squeeze %dma_wait3A_121 : memref<1x80xi32, #tpu.memory_space<vmem>> -> memref<80xi32, #tpu.memory_space<vmem>>
          %dma_wait3A_123 = arith.constant 0 : i32
          %dma_wait3A_124 = arith.constant 0 : i32
          %dma_wait3A_125 = tpu.memref_slice %arg10[%dma_wait3A_123, %dma_wait3A_124] : memref<10240x128xf32, #tpu.memory_space<vmem_shared>> -> memref<10240x128xf32, #tpu.memory_space<vmem_shared>>
          tpu.wait_indirect_dma semaphore(%run_scoped3A_105 : memref<!tpu.dma_semaphore, #tpu.memory_space<semaphore_mem>>) src(%dma_wait3A_119 : memref<80x128xf32, #tpu.memory_space<vmem>>) dst(%dma_wait3A_125 : memref<10240x128xf32, #tpu.memory_space<vmem_shared>>)
          tpu.yield
        }) : () -> ()
      } else {
      }
      %rem3A_65 = arith.constant 3 : i32
      %rem3A_66 = arith.remsi %scan3A_54, %rem3A_65 : i32
      %eq3A_67 = arith.constant 2 : i32
      %eq3A_68 = arith.cmpi eq, %rem3A_66, %eq3A_67 : i32
      %convert_element_type3A_69 = arith.extui %eq3A_68 : i1 to i32
      %cond3A_70 = arith.constant 0 : i32
      %cond3A_71 = arith.cmpi ne, %convert_element_type3A_69, %cond3A_70 : i32
      scf.if %cond3A_71 {
        %add3A_72 = arith.constant 3 : i32
        %add3A_73 = arith.addi %scan3A_54, %add3A_72 : i32
        %sub3A = arith.constant 1 : i32
        %sub3A_74 = arith.subi %add3A_73, %sub3A : i32
        %lt3A = arith.constant 125 : i32
        %lt3A_75 = arith.cmpi slt, %sub3A_74, %lt3A : i32
        %convert_element_type3A_76 = arith.extui %lt3A_75 : i1 to i32
        %cond3A_77 = arith.constant 0 : i32
        %cond3A_78 = arith.cmpi ne, %convert_element_type3A_76, %cond3A_77 : i32
        scf.if %cond3A_78 {
          %add3A_105 = arith.constant 3 : i32
          %add3A_106 = arith.addi %scan3A_54, %add3A_105 : i32
          %sub3A_107 = arith.constant 1 : i32
          %sub3A_108 = arith.subi %add3A_106, %sub3A_107 : i32
          %mul3A_109 = arith.constant 80 : i32
          %mul3A_110 = arith.muli %sub3A_108, %mul3A_109 : i32
          %add3A_111 = arith.addi %multiple_of3A, %mul3A_110 : i32
          %multiple_of3A_112 = tpu.assume_multiple %add3A_111, 80 : i32
          %dma_start3A_113 = arith.constant 1 : i32
          %dma_start3A_114 = arith.constant 0 : i32
          %dma_start3A_115 = tpu.memref_slice %arg8[%dma_start3A_113, %dma_start3A_114] : memref<3x80xi32, #tpu.memory_space<vmem>> -> memref<1x80xi32, #tpu.memory_space<vmem>>
          %dma_start3A_116 = tpu.memref_squeeze %dma_start3A_115 : memref<1x80xi32, #tpu.memory_space<vmem>> -> memref<80xi32, #tpu.memory_space<vmem>>
          %dma_start3A_117 = tpu.memref_slice %arg4[%multiple_of3A_112] : memref<320000xi32, #tpu.memory_space<hbm>> -> memref<80xi32, #tpu.memory_space<hbm>>
          %dma_start3A_118 = arith.constant 0 : i32
          %dma_start3A_119 = tpu.memref_slice %arg8[%dma_start3A_113, %dma_start3A_118] : memref<3x80xi32, #tpu.memory_space<vmem>> -> memref<1x80xi32, #tpu.memory_space<vmem>>
          %dma_start3A_120 = tpu.memref_squeeze %dma_start3A_119 : memref<1x80xi32, #tpu.memory_space<vmem>> -> memref<80xi32, #tpu.memory_space<vmem>>
          %dma_start3A_121 = tpu.memref_slice %arg4[%multiple_of3A_112] : memref<320000xi32, #tpu.memory_space<hbm>> -> memref<80xi32, #tpu.memory_space<hbm>>
          tpu.enqueue_dma source(%dma_start3A_121 : memref<80xi32, #tpu.memory_space<hbm>>) target(%dma_start3A_120 : memref<80xi32, #tpu.memory_space<vmem>>) target_semaphore(%arg15 : memref<!tpu.dma_semaphore, #tpu.memory_space<semaphore_mem>>)
          %mul3A_122 = arith.constant 80 : i32
          %mul3A_123 = arith.muli %sub3A_108, %mul3A_122 : i32
          %dma_start3A_124 = arith.constant 1 : i32
          %dma_start3A_125 = arith.constant 0 : i32
          %dma_start3A_126 = arith.constant 0 : i32
          %dma_start3A_127 = tpu.memref_slice %arg9[%dma_start3A_124, %dma_start3A_125, %dma_start3A_126] : memref<3x80x128xf32, #tpu.memory_space<vmem>> -> memref<1x80x128xf32, #tpu.memory_space<vmem>>
          %dma_start3A_128 = tpu.memref_squeeze %dma_start3A_127 : memref<1x80x128xf32, #tpu.memory_space<vmem>> -> memref<80x128xf32, #tpu.memory_space<vmem>>
          %dma_start3A_129 = tpu.memref_slice %arg7[%mul3A_123] : memref<10000xi32, #tpu.memory_space<vmem>> -> memref<80xi32, #tpu.memory_space<vmem>>
          %dma_start3A_130 = arith.constant 0 : i32
          %dma_start3A_131 = arith.constant 0 : i32
          %dma_start3A_132 = tpu.memref_slice %arg2[%dma_start3A_130, %dma_start3A_131] : memref<10000x128xf32, #tpu.memory_space<hbm>> -> memref<10000x128xf32, #tpu.memory_space<hbm>>
          tpu.enqueue_indirect_dma source(%dma_start3A_132 : memref<10000x128xf32, #tpu.memory_space<hbm>>) target(%dma_start3A_128 : memref<80x128xf32, #tpu.memory_space<vmem>>) offsets(%dma_start3A_129 : memref<80xi32, #tpu.memory_space<vmem>>) semaphore(%arg12 : memref<!tpu.dma_semaphore, #tpu.memory_space<semaphore_mem>>)
        } else {
        }
        %dma_wait3A = arith.constant 2 : i32
        %dma_wait3A_79 = arith.constant 0 : i32
        %dma_wait3A_80 = tpu.memref_slice %arg8[%dma_wait3A, %dma_wait3A_79] : memref<3x80xi32, #tpu.memory_space<vmem>> -> memref<1x80xi32, #tpu.memory_space<vmem>>
        %dma_wait3A_81 = tpu.memref_squeeze %dma_wait3A_80 : memref<1x80xi32, #tpu.memory_space<vmem>> -> memref<80xi32, #tpu.memory_space<vmem>>
        %dma_wait3A_82 = arith.constant 0 : i32
        %dma_wait3A_83 = tpu.memref_slice %arg4[%dma_wait3A_82] : memref<320000xi32, #tpu.memory_space<hbm>> -> memref<80xi32, #tpu.memory_space<hbm>>
        %dma_wait3A_84 = arith.constant 0 : i32
        %dma_wait3A_85 = tpu.memref_slice %arg8[%dma_wait3A, %dma_wait3A_84] : memref<3x80xi32, #tpu.memory_space<vmem>> -> memref<1x80xi32, #tpu.memory_space<vmem>>
        %dma_wait3A_86 = tpu.memref_squeeze %dma_wait3A_85 : memref<1x80xi32, #tpu.memory_space<vmem>> -> memref<80xi32, #tpu.memory_space<vmem>>
        %dma_wait3A_87 = arith.constant 0 : i32
        %dma_wait3A_88 = tpu.memref_slice %arg4[%dma_wait3A_87] : memref<320000xi32, #tpu.memory_space<hbm>> -> memref<80xi32, #tpu.memory_space<hbm>>
        tpu.wait_dma2 semaphore(%arg16 : memref<!tpu.dma_semaphore, #tpu.memory_space<semaphore_mem>>) src(%dma_wait3A_88 : memref<80xi32, #tpu.memory_space<hbm>>) dst(%dma_wait3A_86 : memref<80xi32, #tpu.memory_space<vmem>>)
        %dma_wait3A_89 = arith.constant 2 : i32
        %dma_wait3A_90 = arith.constant 0 : i32
        %dma_wait3A_91 = arith.constant 0 : i32
        %dma_wait3A_92 = tpu.memref_slice %arg9[%dma_wait3A_89, %dma_wait3A_90, %dma_wait3A_91] : memref<3x80x128xf32, #tpu.memory_space<vmem>> -> memref<1x80x128xf32, #tpu.memory_space<vmem>>
        %dma_wait3A_93 = tpu.memref_squeeze %dma_wait3A_92 : memref<1x80x128xf32, #tpu.memory_space<vmem>> -> memref<80x128xf32, #tpu.memory_space<vmem>>
        %dma_wait3A_94 = arith.constant 0 : i32
        %dma_wait3A_95 = arith.constant 0 : i32
        %dma_wait3A_96 = tpu.memref_slice %arg2[%dma_wait3A_94, %dma_wait3A_95] : memref<10000x128xf32, #tpu.memory_space<hbm>> -> memref<80x128xf32, #tpu.memory_space<hbm>>
        %dma_wait3A_97 = arith.constant 0 : i32
        %dma_wait3A_98 = arith.constant 0 : i32
        %dma_wait3A_99 = tpu.memref_slice %arg9[%dma_wait3A_89, %dma_wait3A_97, %dma_wait3A_98] : memref<3x80x128xf32, #tpu.memory_space<vmem>> -> memref<1x80x128xf32, #tpu.memory_space<vmem>>
        %dma_wait3A_100 = tpu.memref_squeeze %dma_wait3A_99 : memref<1x80x128xf32, #tpu.memory_space<vmem>> -> memref<80x128xf32, #tpu.memory_space<vmem>>
        %dma_wait3A_101 = arith.constant 0 : i32
        %dma_wait3A_102 = arith.constant 0 : i32
        %dma_wait3A_103 = tpu.memref_slice %arg2[%dma_wait3A_101, %dma_wait3A_102] : memref<10000x128xf32, #tpu.memory_space<hbm>> -> memref<80x128xf32, #tpu.memory_space<hbm>>
        tpu.wait_dma2 semaphore(%arg13 : memref<!tpu.dma_semaphore, #tpu.memory_space<semaphore_mem>>) src(%dma_wait3A_103 : memref<80x128xf32, #tpu.memory_space<hbm>>) dst(%dma_wait3A_100 : memref<80x128xf32, #tpu.memory_space<vmem>>)
        %run_scoped3A = arith.constant 2 : i32
        %run_scoped3A_104 = arith.constant 2 : i32
        "tpu.region"() ({
          %run_scoped3A_105 = tpu.sem_alloc : memref<!tpu.dma_semaphore, #tpu.memory_space<semaphore_mem>>
          %dma_start3A_106 = arith.constant 0 : i32
          %dma_start3A_107 = arith.constant 0 : i32
          %dma_start3A_108 = tpu.memref_slice %arg9[%run_scoped3A, %dma_start3A_106, %dma_start3A_107] : memref<3x80x128xf32, #tpu.memory_space<vmem>> -> memref<1x80x128xf32, #tpu.memory_space<vmem>>
          %dma_start3A_109 = tpu.memref_squeeze %dma_start3A_108 : memref<1x80x128xf32, #tpu.memory_space<vmem>> -> memref<80x128xf32, #tpu.memory_space<vmem>>
          %dma_start3A_110 = arith.constant 0 : i32
          %dma_start3A_111 = tpu.memref_slice %arg8[%run_scoped3A_104, %dma_start3A_110] : memref<3x80xi32, #tpu.memory_space<vmem>> -> memref<1x80xi32, #tpu.memory_space<vmem>>
          %dma_start3A_112 = tpu.memref_squeeze %dma_start3A_111 : memref<1x80xi32, #tpu.memory_space<vmem>> -> memref<80xi32, #tpu.memory_space<vmem>>
          %dma_start3A_113 = arith.constant 0 : i32
          %dma_start3A_114 = arith.constant 0 : i32
          %dma_start3A_115 = tpu.memref_slice %arg10[%dma_start3A_113, %dma_start3A_114] : memref<10240x128xf32, #tpu.memory_space<vmem_shared>> -> memref<10240x128xf32, #tpu.memory_space<vmem_shared>>
          tpu.enqueue_indirect_dma source(%dma_start3A_109 : memref<80x128xf32, #tpu.memory_space<vmem>>) target(%dma_start3A_115 : memref<10240x128xf32, #tpu.memory_space<vmem_shared>>) offsets(%dma_start3A_112 : memref<80xi32, #tpu.memory_space<vmem>>) semaphore(%run_scoped3A_105 : memref<!tpu.dma_semaphore, #tpu.memory_space<semaphore_mem>>) {add = true}
          %dma_wait3A_116 = arith.constant 0 : i32
          %dma_wait3A_117 = arith.constant 0 : i32
          %dma_wait3A_118 = tpu.memref_slice %arg9[%run_scoped3A, %dma_wait3A_116, %dma_wait3A_117] : memref<3x80x128xf32, #tpu.memory_space<vmem>> -> memref<1x80x128xf32, #tpu.memory_space<vmem>>
          %dma_wait3A_119 = tpu.memref_squeeze %dma_wait3A_118 : memref<1x80x128xf32, #tpu.memory_space<vmem>> -> memref<80x128xf32, #tpu.memory_space<vmem>>
          %dma_wait3A_120 = arith.constant 0 : i32
          %dma_wait3A_121 = tpu.memref_slice %arg8[%run_scoped3A_104, %dma_wait3A_120] : memref<3x80xi32, #tpu.memory_space<vmem>> -> memref<1x80xi32, #tpu.memory_space<vmem>>
          %dma_wait3A_122 = tpu.memref_squeeze %dma_wait3A_121 : memref<1x80xi32, #tpu.memory_space<vmem>> -> memref<80xi32, #tpu.memory_space<vmem>>
          %dma_wait3A_123 = arith.constant 0 : i32
          %dma_wait3A_124 = arith.constant 0 : i32
          %dma_wait3A_125 = tpu.memref_slice %arg10[%dma_wait3A_123, %dma_wait3A_124] : memref<10240x128xf32, #tpu.memory_space<vmem_shared>> -> memref<10240x128xf32, #tpu.memory_space<vmem_shared>>
          tpu.wait_indirect_dma semaphore(%run_scoped3A_105 : memref<!tpu.dma_semaphore, #tpu.memory_space<semaphore_mem>>) src(%dma_wait3A_119 : memref<80x128xf32, #tpu.memory_space<vmem>>) dst(%dma_wait3A_125 : memref<10240x128xf32, #tpu.memory_space<vmem_shared>>)
          tpu.yield
        }) : () -> ()
      } else {
      }
    }
    %scan3A_52 = arith.constant 125 : i32
    %barrier3A_53 = arith.constant 0 : index
    tpu.barrier barrier_id(%barrier3A_53)
    "tpu.region"() ({
      %run_scoped3A = tpu.sem_alloc : memref<!tpu.dma_semaphore, #tpu.memory_space<semaphore_mem>>
      %dma_start3A_54 = arith.constant 0 : i32
      %dma_start3A_55 = tpu.memref_slice %arg6[%arg0, %mul3A_2, %dma_start3A_54] : memref<2x10240x128xf32, #tpu.memory_space<hbm>> -> memref<1x640x128xf32, #tpu.memory_space<hbm>>
      %dma_start3A_56 = tpu.memref_squeeze %dma_start3A_55 : memref<1x640x128xf32, #tpu.memory_space<hbm>> -> memref<640x128xf32, #tpu.memory_space<hbm>>
      %dma_start3A_57 = arith.constant 0 : i32
      %dma_start3A_58 = tpu.memref_slice %arg10[%mul3A_2, %dma_start3A_57] : memref<10240x128xf32, #tpu.memory_space<vmem_shared>> -> memref<640x128xf32, #tpu.memory_space<vmem_shared>>
      tpu.enqueue_dma source(%dma_start3A_58 : memref<640x128xf32, #tpu.memory_space<vmem_shared>>) target(%dma_start3A_56 : memref<640x128xf32, #tpu.memory_space<hbm>>) target_semaphore(%run_scoped3A : memref<!tpu.dma_semaphore, #tpu.memory_space<semaphore_mem>>)
      %dma_wait3A = arith.constant 0 : i32
      %dma_wait3A_59 = tpu.memref_slice %arg6[%arg0, %mul3A_2, %dma_wait3A] : memref<2x10240x128xf32, #tpu.memory_space<hbm>> -> memref<1x640x128xf32, #tpu.memory_space<hbm>>
      %dma_wait3A_60 = tpu.memref_squeeze %dma_wait3A_59 : memref<1x640x128xf32, #tpu.memory_space<hbm>> -> memref<640x128xf32, #tpu.memory_space<hbm>>
      %dma_wait3A_61 = arith.constant 0 : i32
      %dma_wait3A_62 = tpu.memref_slice %arg10[%mul3A_2, %dma_wait3A_61] : memref<10240x128xf32, #tpu.memory_space<vmem_shared>> -> memref<640x128xf32, #tpu.memory_space<vmem_shared>>
      tpu.wait_dma2 semaphore(%run_scoped3A : memref<!tpu.dma_semaphore, #tpu.memory_space<semaphore_mem>>) src(%dma_wait3A_62 : memref<640x128xf32, #tpu.memory_space<vmem_shared>>) dst(%dma_wait3A_60 : memref<640x128xf32, #tpu.memory_space<hbm>>)
      tpu.yield
    }) : () -> ()
    return
  }
}

#map = affine_map<(d0, d1) -> (0)>
#map1 = affine_map<(d0, d1) -> (0, 0)>
#map2 = affine_map<(d0, d1) -> (0, 0, 0)>
module attributes {stable_mosaic.version = 14 : i64} {
  func.func @_deg2_body(%arg0: i32, %arg1: i32, %arg2: memref<320000xi32, #tpu.memory_space<hbm>>, %arg3: memref<80x128xf32, #tpu.memory_space<hbm>>, %arg4: memref<10240x128xf32, #tpu.memory_space<hbm>>, %arg5: memref<2x10240x128xf32, #tpu.memory_space<hbm>>, %arg6: memref<2x80xi32, #tpu.memory_space<vmem>>, %arg7: memref<80x128xf32, #tpu.memory_space<vmem>>, %arg8: memref<10240x128xf32, #tpu.memory_space<vmem_shared>>, %arg9: memref<!tpu.dma_semaphore, #tpu.memory_space<semaphore_mem>>, %arg10: memref<!tpu.dma_semaphore, #tpu.memory_space<semaphore_mem>>) attributes {dimension_semantics = [#tpu.dimension_semantics<core_parallel>, #tpu.dimension_semantics<subcore_parallel>], iteration_bounds = array<i64: 2, 16>, scalar_prefetch = 0 : i64, scratch_operands = 5 : i64, tpu.core_type = #tpu.core_type<sc_vector_subcore>, window_params = [{transform_indices = #map}, {transform_indices = #map1}, {transform_indices = #map1}, {transform_indices = #map2}]} {
    %mul3A = arith.constant 2 : i32
    %mul3A_0 = arith.muli %arg1, %mul3A : i32
    %add3A = arith.addi %mul3A_0, %arg0 : i32
    %mul3A_1 = arith.constant 640 : i32
    %mul3A_2 = arith.muli %arg1, %mul3A_1 : i32
    %mul3A_3 = arith.constant 10000 : i32
    %mul3A_4 = arith.muli %add3A, %mul3A_3 : i32
    %multiple_of3A = tpu.assume_multiple %mul3A_4, 80 : i32
    "tpu.region"() ({
      %run_scoped3A = tpu.sem_alloc : memref<!tpu.dma_semaphore, #tpu.memory_space<semaphore_mem>>
      %dma_start3A_22 = arith.constant 0 : i32
      %dma_start3A_23 = tpu.memref_slice %arg8[%mul3A_2, %dma_start3A_22] : memref<10240x128xf32, #tpu.memory_space<vmem_shared>> -> memref<640x128xf32, #tpu.memory_space<vmem_shared>>
      %dma_start3A_24 = arith.constant 0 : i32
      %dma_start3A_25 = tpu.memref_slice %arg4[%mul3A_2, %dma_start3A_24] : memref<10240x128xf32, #tpu.memory_space<hbm>> -> memref<640x128xf32, #tpu.memory_space<hbm>>
      tpu.enqueue_dma source(%dma_start3A_25 : memref<640x128xf32, #tpu.memory_space<hbm>>) target(%dma_start3A_23 : memref<640x128xf32, #tpu.memory_space<vmem_shared>>) target_semaphore(%run_scoped3A : memref<!tpu.dma_semaphore, #tpu.memory_space<semaphore_mem>>)
      %dma_wait3A = arith.constant 0 : i32
      %dma_wait3A_26 = tpu.memref_slice %arg8[%mul3A_2, %dma_wait3A] : memref<10240x128xf32, #tpu.memory_space<vmem_shared>> -> memref<640x128xf32, #tpu.memory_space<vmem_shared>>
      %dma_wait3A_27 = arith.constant 0 : i32
      %dma_wait3A_28 = tpu.memref_slice %arg4[%mul3A_2, %dma_wait3A_27] : memref<10240x128xf32, #tpu.memory_space<hbm>> -> memref<640x128xf32, #tpu.memory_space<hbm>>
      tpu.wait_dma2 semaphore(%run_scoped3A : memref<!tpu.dma_semaphore, #tpu.memory_space<semaphore_mem>>) src(%dma_wait3A_28 : memref<640x128xf32, #tpu.memory_space<hbm>>) dst(%dma_wait3A_26 : memref<640x128xf32, #tpu.memory_space<vmem_shared>>)
      tpu.yield
    }) : () -> ()
    "tpu.region"() ({
      %run_scoped3A = tpu.sem_alloc : memref<!tpu.dma_semaphore, #tpu.memory_space<semaphore_mem>>
      tpu.enqueue_dma source(%arg3 : memref<80x128xf32, #tpu.memory_space<hbm>>) target(%arg7 : memref<80x128xf32, #tpu.memory_space<vmem>>) target_semaphore(%run_scoped3A : memref<!tpu.dma_semaphore, #tpu.memory_space<semaphore_mem>>)
      tpu.wait_dma2 semaphore(%run_scoped3A : memref<!tpu.dma_semaphore, #tpu.memory_space<semaphore_mem>>) src(%arg3 : memref<80x128xf32, #tpu.memory_space<hbm>>) dst(%arg7 : memref<80x128xf32, #tpu.memory_space<vmem>>)
      tpu.yield
    }) : () -> ()
    %barrier3A = arith.constant 0 : index
    tpu.barrier barrier_id(%barrier3A)
    %add3A_5 = arith.constant 0 : i32
    %add3A_6 = arith.addi %multiple_of3A, %add3A_5 : i32
    %multiple_of3A_7 = tpu.assume_multiple %add3A_6, 80 : i32
    %dma_start3A = arith.constant 0 : i32
    %dma_start3A_8 = arith.constant 0 : i32
    %dma_start3A_9 = tpu.memref_slice %arg6[%dma_start3A, %dma_start3A_8] : memref<2x80xi32, #tpu.memory_space<vmem>> -> memref<1x80xi32, #tpu.memory_space<vmem>>
    %dma_start3A_10 = tpu.memref_squeeze %dma_start3A_9 : memref<1x80xi32, #tpu.memory_space<vmem>> -> memref<80xi32, #tpu.memory_space<vmem>>
    %dma_start3A_11 = tpu.memref_slice %arg2[%multiple_of3A_7] : memref<320000xi32, #tpu.memory_space<hbm>> -> memref<80xi32, #tpu.memory_space<hbm>>
    %dma_start3A_12 = arith.constant 0 : i32
    %dma_start3A_13 = tpu.memref_slice %arg6[%dma_start3A, %dma_start3A_12] : memref<2x80xi32, #tpu.memory_space<vmem>> -> memref<1x80xi32, #tpu.memory_space<vmem>>
    %dma_start3A_14 = tpu.memref_squeeze %dma_start3A_13 : memref<1x80xi32, #tpu.memory_space<vmem>> -> memref<80xi32, #tpu.memory_space<vmem>>
    %dma_start3A_15 = tpu.memref_slice %arg2[%multiple_of3A_7] : memref<320000xi32, #tpu.memory_space<hbm>> -> memref<80xi32, #tpu.memory_space<hbm>>
    tpu.enqueue_dma source(%dma_start3A_15 : memref<80xi32, #tpu.memory_space<hbm>>) target(%dma_start3A_14 : memref<80xi32, #tpu.memory_space<vmem>>) target_semaphore(%arg9 : memref<!tpu.dma_semaphore, #tpu.memory_space<semaphore_mem>>)
    %scan3A = arith.constant 0 : i32
    %scan3A_16 = arith.constant 0 : i32
    %scan3A_17 = arith.constant 125 : i32
    %scan3A_18 = arith.addi %scan3A_16, %scan3A_17 : i32
    %scan3A_19 = arith.constant 1 : i32
    scf.for %scan3A_22 = %scan3A_16 to %scan3A_18 step %scan3A_19  : i32 {
      %rem3A = arith.constant 2 : i32
      %rem3A_23 = arith.remsi %scan3A_22, %rem3A : i32
      %eq3A = arith.constant 0 : i32
      %eq3A_24 = arith.cmpi eq, %rem3A_23, %eq3A : i32
      %convert_element_type3A = arith.extui %eq3A_24 : i1 to i32
      %cond3A = arith.constant 0 : i32
      %cond3A_25 = arith.cmpi ne, %convert_element_type3A, %cond3A : i32
      scf.if %cond3A_25 {
        %add3A_33 = arith.constant 1 : i32
        %add3A_34 = arith.addi %scan3A_22, %add3A_33 : i32
        %lt3A = arith.constant 125 : i32
        %lt3A_35 = arith.cmpi slt, %add3A_34, %lt3A : i32
        %convert_element_type3A_36 = arith.extui %lt3A_35 : i1 to i32
        %cond3A_37 = arith.constant 0 : i32
        %cond3A_38 = arith.cmpi ne, %convert_element_type3A_36, %cond3A_37 : i32
        scf.if %cond3A_38 {
          %add3A_49 = arith.constant 1 : i32
          %add3A_50 = arith.addi %scan3A_22, %add3A_49 : i32
          %mul3A_51 = arith.constant 80 : i32
          %mul3A_52 = arith.muli %add3A_50, %mul3A_51 : i32
          %add3A_53 = arith.addi %multiple_of3A, %mul3A_52 : i32
          %multiple_of3A_54 = tpu.assume_multiple %add3A_53, 80 : i32
          %dma_start3A_55 = arith.constant 1 : i32
          %dma_start3A_56 = arith.constant 0 : i32
          %dma_start3A_57 = tpu.memref_slice %arg6[%dma_start3A_55, %dma_start3A_56] : memref<2x80xi32, #tpu.memory_space<vmem>> -> memref<1x80xi32, #tpu.memory_space<vmem>>
          %dma_start3A_58 = tpu.memref_squeeze %dma_start3A_57 : memref<1x80xi32, #tpu.memory_space<vmem>> -> memref<80xi32, #tpu.memory_space<vmem>>
          %dma_start3A_59 = tpu.memref_slice %arg2[%multiple_of3A_54] : memref<320000xi32, #tpu.memory_space<hbm>> -> memref<80xi32, #tpu.memory_space<hbm>>
          %dma_start3A_60 = arith.constant 0 : i32
          %dma_start3A_61 = tpu.memref_slice %arg6[%dma_start3A_55, %dma_start3A_60] : memref<2x80xi32, #tpu.memory_space<vmem>> -> memref<1x80xi32, #tpu.memory_space<vmem>>
          %dma_start3A_62 = tpu.memref_squeeze %dma_start3A_61 : memref<1x80xi32, #tpu.memory_space<vmem>> -> memref<80xi32, #tpu.memory_space<vmem>>
          %dma_start3A_63 = tpu.memref_slice %arg2[%multiple_of3A_54] : memref<320000xi32, #tpu.memory_space<hbm>> -> memref<80xi32, #tpu.memory_space<hbm>>
          tpu.enqueue_dma source(%dma_start3A_63 : memref<80xi32, #tpu.memory_space<hbm>>) target(%dma_start3A_62 : memref<80xi32, #tpu.memory_space<vmem>>) target_semaphore(%arg10 : memref<!tpu.dma_semaphore, #tpu.memory_space<semaphore_mem>>)
        } else {
        }
        %dma_wait3A = arith.constant 0 : i32
        %dma_wait3A_39 = arith.constant 0 : i32
        %dma_wait3A_40 = tpu.memref_slice %arg6[%dma_wait3A, %dma_wait3A_39] : memref<2x80xi32, #tpu.memory_space<vmem>> -> memref<1x80xi32, #tpu.memory_space<vmem>>
        %dma_wait3A_41 = tpu.memref_squeeze %dma_wait3A_40 : memref<1x80xi32, #tpu.memory_space<vmem>> -> memref<80xi32, #tpu.memory_space<vmem>>
        %dma_wait3A_42 = arith.constant 0 : i32
        %dma_wait3A_43 = tpu.memref_slice %arg2[%dma_wait3A_42] : memref<320000xi32, #tpu.memory_space<hbm>> -> memref<80xi32, #tpu.memory_space<hbm>>
        %dma_wait3A_44 = arith.constant 0 : i32
        %dma_wait3A_45 = tpu.memref_slice %arg6[%dma_wait3A, %dma_wait3A_44] : memref<2x80xi32, #tpu.memory_space<vmem>> -> memref<1x80xi32, #tpu.memory_space<vmem>>
        %dma_wait3A_46 = tpu.memref_squeeze %dma_wait3A_45 : memref<1x80xi32, #tpu.memory_space<vmem>> -> memref<80xi32, #tpu.memory_space<vmem>>
        %dma_wait3A_47 = arith.constant 0 : i32
        %dma_wait3A_48 = tpu.memref_slice %arg2[%dma_wait3A_47] : memref<320000xi32, #tpu.memory_space<hbm>> -> memref<80xi32, #tpu.memory_space<hbm>>
        tpu.wait_dma2 semaphore(%arg9 : memref<!tpu.dma_semaphore, #tpu.memory_space<semaphore_mem>>) src(%dma_wait3A_48 : memref<80xi32, #tpu.memory_space<hbm>>) dst(%dma_wait3A_46 : memref<80xi32, #tpu.memory_space<vmem>>)
        %run_scoped3A = arith.constant 0 : i32
        "tpu.region"() ({
          %run_scoped3A_49 = tpu.sem_alloc : memref<!tpu.dma_semaphore, #tpu.memory_space<semaphore_mem>>
          %dma_start3A_50 = arith.constant 0 : i32
          %dma_start3A_51 = tpu.memref_slice %arg6[%run_scoped3A, %dma_start3A_50] : memref<2x80xi32, #tpu.memory_space<vmem>> -> memref<1x80xi32, #tpu.memory_space<vmem>>
          %dma_start3A_52 = tpu.memref_squeeze %dma_start3A_51 : memref<1x80xi32, #tpu.memory_space<vmem>> -> memref<80xi32, #tpu.memory_space<vmem>>
          %dma_start3A_53 = arith.constant 0 : i32
          %dma_start3A_54 = arith.constant 0 : i32
          %dma_start3A_55 = tpu.memref_slice %arg8[%dma_start3A_53, %dma_start3A_54] : memref<10240x128xf32, #tpu.memory_space<vmem_shared>> -> memref<10240x128xf32, #tpu.memory_space<vmem_shared>>
          tpu.enqueue_indirect_dma source(%arg7 : memref<80x128xf32, #tpu.memory_space<vmem>>) target(%dma_start3A_55 : memref<10240x128xf32, #tpu.memory_space<vmem_shared>>) offsets(%dma_start3A_52 : memref<80xi32, #tpu.memory_space<vmem>>) semaphore(%run_scoped3A_49 : memref<!tpu.dma_semaphore, #tpu.memory_space<semaphore_mem>>) {add = true}
          %dma_wait3A_56 = arith.constant 0 : i32
          %dma_wait3A_57 = tpu.memref_slice %arg6[%run_scoped3A, %dma_wait3A_56] : memref<2x80xi32, #tpu.memory_space<vmem>> -> memref<1x80xi32, #tpu.memory_space<vmem>>
          %dma_wait3A_58 = tpu.memref_squeeze %dma_wait3A_57 : memref<1x80xi32, #tpu.memory_space<vmem>> -> memref<80xi32, #tpu.memory_space<vmem>>
          %dma_wait3A_59 = arith.constant 0 : i32
          %dma_wait3A_60 = arith.constant 0 : i32
          %dma_wait3A_61 = tpu.memref_slice %arg8[%dma_wait3A_59, %dma_wait3A_60] : memref<10240x128xf32, #tpu.memory_space<vmem_shared>> -> memref<10240x128xf32, #tpu.memory_space<vmem_shared>>
          tpu.wait_indirect_dma semaphore(%run_scoped3A_49 : memref<!tpu.dma_semaphore, #tpu.memory_space<semaphore_mem>>) src(%arg7 : memref<80x128xf32, #tpu.memory_space<vmem>>) dst(%dma_wait3A_61 : memref<10240x128xf32, #tpu.memory_space<vmem_shared>>)
          tpu.yield
        }) : () -> ()
      } else {
      }
      %rem3A_26 = arith.constant 2 : i32
      %rem3A_27 = arith.remsi %scan3A_22, %rem3A_26 : i32
      %eq3A_28 = arith.constant 1 : i32
      %eq3A_29 = arith.cmpi eq, %rem3A_27, %eq3A_28 : i32
      %convert_element_type3A_30 = arith.extui %eq3A_29 : i1 to i32
      %cond3A_31 = arith.constant 0 : i32
      %cond3A_32 = arith.cmpi ne, %convert_element_type3A_30, %cond3A_31 : i32
      scf.if %cond3A_32 {
        %add3A_33 = arith.constant 1 : i32
        %add3A_34 = arith.addi %scan3A_22, %add3A_33 : i32
        %lt3A = arith.constant 125 : i32
        %lt3A_35 = arith.cmpi slt, %add3A_34, %lt3A : i32
        %convert_element_type3A_36 = arith.extui %lt3A_35 : i1 to i32
        %cond3A_37 = arith.constant 0 : i32
        %cond3A_38 = arith.cmpi ne, %convert_element_type3A_36, %cond3A_37 : i32
        scf.if %cond3A_38 {
          %add3A_49 = arith.constant 1 : i32
          %add3A_50 = arith.addi %scan3A_22, %add3A_49 : i32
          %mul3A_51 = arith.constant 80 : i32
          %mul3A_52 = arith.muli %add3A_50, %mul3A_51 : i32
          %add3A_53 = arith.addi %multiple_of3A, %mul3A_52 : i32
          %multiple_of3A_54 = tpu.assume_multiple %add3A_53, 80 : i32
          %dma_start3A_55 = arith.constant 0 : i32
          %dma_start3A_56 = arith.constant 0 : i32
          %dma_start3A_57 = tpu.memref_slice %arg6[%dma_start3A_55, %dma_start3A_56] : memref<2x80xi32, #tpu.memory_space<vmem>> -> memref<1x80xi32, #tpu.memory_space<vmem>>
          %dma_start3A_58 = tpu.memref_squeeze %dma_start3A_57 : memref<1x80xi32, #tpu.memory_space<vmem>> -> memref<80xi32, #tpu.memory_space<vmem>>
          %dma_start3A_59 = tpu.memref_slice %arg2[%multiple_of3A_54] : memref<320000xi32, #tpu.memory_space<hbm>> -> memref<80xi32, #tpu.memory_space<hbm>>
          %dma_start3A_60 = arith.constant 0 : i32
          %dma_start3A_61 = tpu.memref_slice %arg6[%dma_start3A_55, %dma_start3A_60] : memref<2x80xi32, #tpu.memory_space<vmem>> -> memref<1x80xi32, #tpu.memory_space<vmem>>
          %dma_start3A_62 = tpu.memref_squeeze %dma_start3A_61 : memref<1x80xi32, #tpu.memory_space<vmem>> -> memref<80xi32, #tpu.memory_space<vmem>>
          %dma_start3A_63 = tpu.memref_slice %arg2[%multiple_of3A_54] : memref<320000xi32, #tpu.memory_space<hbm>> -> memref<80xi32, #tpu.memory_space<hbm>>
          tpu.enqueue_dma source(%dma_start3A_63 : memref<80xi32, #tpu.memory_space<hbm>>) target(%dma_start3A_62 : memref<80xi32, #tpu.memory_space<vmem>>) target_semaphore(%arg9 : memref<!tpu.dma_semaphore, #tpu.memory_space<semaphore_mem>>)
        } else {
        }
        %dma_wait3A = arith.constant 1 : i32
        %dma_wait3A_39 = arith.constant 0 : i32
        %dma_wait3A_40 = tpu.memref_slice %arg6[%dma_wait3A, %dma_wait3A_39] : memref<2x80xi32, #tpu.memory_space<vmem>> -> memref<1x80xi32, #tpu.memory_space<vmem>>
        %dma_wait3A_41 = tpu.memref_squeeze %dma_wait3A_40 : memref<1x80xi32, #tpu.memory_space<vmem>> -> memref<80xi32, #tpu.memory_space<vmem>>
        %dma_wait3A_42 = arith.constant 0 : i32
        %dma_wait3A_43 = tpu.memref_slice %arg2[%dma_wait3A_42] : memref<320000xi32, #tpu.memory_space<hbm>> -> memref<80xi32, #tpu.memory_space<hbm>>
        %dma_wait3A_44 = arith.constant 0 : i32
        %dma_wait3A_45 = tpu.memref_slice %arg6[%dma_wait3A, %dma_wait3A_44] : memref<2x80xi32, #tpu.memory_space<vmem>> -> memref<1x80xi32, #tpu.memory_space<vmem>>
        %dma_wait3A_46 = tpu.memref_squeeze %dma_wait3A_45 : memref<1x80xi32, #tpu.memory_space<vmem>> -> memref<80xi32, #tpu.memory_space<vmem>>
        %dma_wait3A_47 = arith.constant 0 : i32
        %dma_wait3A_48 = tpu.memref_slice %arg2[%dma_wait3A_47] : memref<320000xi32, #tpu.memory_space<hbm>> -> memref<80xi32, #tpu.memory_space<hbm>>
        tpu.wait_dma2 semaphore(%arg10 : memref<!tpu.dma_semaphore, #tpu.memory_space<semaphore_mem>>) src(%dma_wait3A_48 : memref<80xi32, #tpu.memory_space<hbm>>) dst(%dma_wait3A_46 : memref<80xi32, #tpu.memory_space<vmem>>)
        %run_scoped3A = arith.constant 1 : i32
        "tpu.region"() ({
          %run_scoped3A_49 = tpu.sem_alloc : memref<!tpu.dma_semaphore, #tpu.memory_space<semaphore_mem>>
          %dma_start3A_50 = arith.constant 0 : i32
          %dma_start3A_51 = tpu.memref_slice %arg6[%run_scoped3A, %dma_start3A_50] : memref<2x80xi32, #tpu.memory_space<vmem>> -> memref<1x80xi32, #tpu.memory_space<vmem>>
          %dma_start3A_52 = tpu.memref_squeeze %dma_start3A_51 : memref<1x80xi32, #tpu.memory_space<vmem>> -> memref<80xi32, #tpu.memory_space<vmem>>
          %dma_start3A_53 = arith.constant 0 : i32
          %dma_start3A_54 = arith.constant 0 : i32
          %dma_start3A_55 = tpu.memref_slice %arg8[%dma_start3A_53, %dma_start3A_54] : memref<10240x128xf32, #tpu.memory_space<vmem_shared>> -> memref<10240x128xf32, #tpu.memory_space<vmem_shared>>
          tpu.enqueue_indirect_dma source(%arg7 : memref<80x128xf32, #tpu.memory_space<vmem>>) target(%dma_start3A_55 : memref<10240x128xf32, #tpu.memory_space<vmem_shared>>) offsets(%dma_start3A_52 : memref<80xi32, #tpu.memory_space<vmem>>) semaphore(%run_scoped3A_49 : memref<!tpu.dma_semaphore, #tpu.memory_space<semaphore_mem>>) {add = true}
          %dma_wait3A_56 = arith.constant 0 : i32
          %dma_wait3A_57 = tpu.memref_slice %arg6[%run_scoped3A, %dma_wait3A_56] : memref<2x80xi32, #tpu.memory_space<vmem>> -> memref<1x80xi32, #tpu.memory_space<vmem>>
          %dma_wait3A_58 = tpu.memref_squeeze %dma_wait3A_57 : memref<1x80xi32, #tpu.memory_space<vmem>> -> memref<80xi32, #tpu.memory_space<vmem>>
          %dma_wait3A_59 = arith.constant 0 : i32
          %dma_wait3A_60 = arith.constant 0 : i32
          %dma_wait3A_61 = tpu.memref_slice %arg8[%dma_wait3A_59, %dma_wait3A_60] : memref<10240x128xf32, #tpu.memory_space<vmem_shared>> -> memref<10240x128xf32, #tpu.memory_space<vmem_shared>>
          tpu.wait_indirect_dma semaphore(%run_scoped3A_49 : memref<!tpu.dma_semaphore, #tpu.memory_space<semaphore_mem>>) src(%arg7 : memref<80x128xf32, #tpu.memory_space<vmem>>) dst(%dma_wait3A_61 : memref<10240x128xf32, #tpu.memory_space<vmem_shared>>)
          tpu.yield
        }) : () -> ()
      } else {
      }
    }
    %scan3A_20 = arith.constant 125 : i32
    %barrier3A_21 = arith.constant 0 : index
    tpu.barrier barrier_id(%barrier3A_21)
    "tpu.region"() ({
      %run_scoped3A = tpu.sem_alloc : memref<!tpu.dma_semaphore, #tpu.memory_space<semaphore_mem>>
      %dma_start3A_22 = arith.constant 0 : i32
      %dma_start3A_23 = tpu.memref_slice %arg5[%arg0, %mul3A_2, %dma_start3A_22] : memref<2x10240x128xf32, #tpu.memory_space<hbm>> -> memref<1x640x128xf32, #tpu.memory_space<hbm>>
      %dma_start3A_24 = tpu.memref_squeeze %dma_start3A_23 : memref<1x640x128xf32, #tpu.memory_space<hbm>> -> memref<640x128xf32, #tpu.memory_space<hbm>>
      %dma_start3A_25 = arith.constant 0 : i32
      %dma_start3A_26 = tpu.memref_slice %arg8[%mul3A_2, %dma_start3A_25] : memref<10240x128xf32, #tpu.memory_space<vmem_shared>> -> memref<640x128xf32, #tpu.memory_space<vmem_shared>>
      tpu.enqueue_dma source(%dma_start3A_26 : memref<640x128xf32, #tpu.memory_space<vmem_shared>>) target(%dma_start3A_24 : memref<640x128xf32, #tpu.memory_space<hbm>>) target_semaphore(%run_scoped3A : memref<!tpu.dma_semaphore, #tpu.memory_space<semaphore_mem>>)
      %dma_wait3A = arith.constant 0 : i32
      %dma_wait3A_27 = tpu.memref_slice %arg5[%arg0, %mul3A_2, %dma_wait3A] : memref<2x10240x128xf32, #tpu.memory_space<hbm>> -> memref<1x640x128xf32, #tpu.memory_space<hbm>>
      %dma_wait3A_28 = tpu.memref_squeeze %dma_wait3A_27 : memref<1x640x128xf32, #tpu.memory_space<hbm>> -> memref<640x128xf32, #tpu.memory_space<hbm>>
      %dma_wait3A_29 = arith.constant 0 : i32
      %dma_wait3A_30 = tpu.memref_slice %arg8[%mul3A_2, %dma_wait3A_29] : memref<10240x128xf32, #tpu.memory_space<vmem_shared>> -> memref<640x128xf32, #tpu.memory_space<vmem_shared>>
      tpu.wait_dma2 semaphore(%run_scoped3A : memref<!tpu.dma_semaphore, #tpu.memory_space<semaphore_mem>>) src(%dma_wait3A_30 : memref<640x128xf32, #tpu.memory_space<vmem_shared>>) dst(%dma_wait3A_28 : memref<640x128xf32, #tpu.memory_space<hbm>>)
      tpu.yield
    }) : () -> ()
    return
  }
}

#map = affine_map<(d0, d1) -> (0, 0)>
#map1 = affine_map<(d0, d1) -> (0)>
#map2 = affine_map<(d0, d1) -> (0, 0, 0)>
module attributes {stable_mosaic.version = 14 : i64} {
  func.func @_msg2_body(%arg0: i32, %arg1: i32, %arg2: memref<10000x128xf32, #tpu.memory_space<hbm>>, %arg3: memref<320000xi32, #tpu.memory_space<hbm>>, %arg4: memref<320000xi32, #tpu.memory_space<hbm>>, %arg5: memref<10240x128xf32, #tpu.memory_space<hbm>>, %arg6: memref<2x10240x128xf32, #tpu.memory_space<hbm>>, %arg7: memref<10000xi32, #tpu.memory_space<vmem>>, %arg8: memref<3x80xi32, #tpu.memory_space<vmem>>, %arg9: memref<3x80x128xf32, #tpu.memory_space<vmem>>, %arg10: memref<10240x128xf32, #tpu.memory_space<vmem_shared>>, %arg11: memref<!tpu.dma_semaphore, #tpu.memory_space<semaphore_mem>>, %arg12: memref<!tpu.dma_semaphore, #tpu.memory_space<semaphore_mem>>, %arg13: memref<!tpu.dma_semaphore, #tpu.memory_space<semaphore_mem>>, %arg14: memref<!tpu.dma_semaphore, #tpu.memory_space<semaphore_mem>>, %arg15: memref<!tpu.dma_semaphore, #tpu.memory_space<semaphore_mem>>, %arg16: memref<!tpu.dma_semaphore, #tpu.memory_space<semaphore_mem>>) attributes {dimension_semantics = [#tpu.dimension_semantics<core_parallel>, #tpu.dimension_semantics<subcore_parallel>], iteration_bounds = array<i64: 2, 16>, scalar_prefetch = 0 : i64, scratch_operands = 10 : i64, tpu.core_type = #tpu.core_type<sc_vector_subcore>, window_params = [{transform_indices = #map}, {transform_indices = #map1}, {transform_indices = #map1}, {transform_indices = #map}, {transform_indices = #map2}]} {
    %mul3A = arith.constant 2 : i32
    %mul3A_0 = arith.muli %arg1, %mul3A : i32
    %add3A = arith.addi %mul3A_0, %arg0 : i32
    %mul3A_1 = arith.constant 640 : i32
    %mul3A_2 = arith.muli %arg1, %mul3A_1 : i32
    %mul3A_3 = arith.constant 10000 : i32
    %mul3A_4 = arith.muli %add3A, %mul3A_3 : i32
    %multiple_of3A = tpu.assume_multiple %mul3A_4, 80 : i32
    "tpu.region"() ({
      %run_scoped3A = tpu.sem_alloc : memref<!tpu.dma_semaphore, #tpu.memory_space<semaphore_mem>>
      %dma_start3A_54 = tpu.memref_slice %arg3[%multiple_of3A] : memref<320000xi32, #tpu.memory_space<hbm>> -> memref<10000xi32, #tpu.memory_space<hbm>>
      %dma_start3A_55 = tpu.memref_slice %arg3[%multiple_of3A] : memref<320000xi32, #tpu.memory_space<hbm>> -> memref<10000xi32, #tpu.memory_space<hbm>>
      tpu.enqueue_dma source(%dma_start3A_55 : memref<10000xi32, #tpu.memory_space<hbm>>) target(%arg7 : memref<10000xi32, #tpu.memory_space<vmem>>) target_semaphore(%run_scoped3A : memref<!tpu.dma_semaphore, #tpu.memory_space<semaphore_mem>>)
      %dma_wait3A = tpu.memref_slice %arg3[%multiple_of3A] : memref<320000xi32, #tpu.memory_space<hbm>> -> memref<10000xi32, #tpu.memory_space<hbm>>
      %dma_wait3A_56 = tpu.memref_slice %arg3[%multiple_of3A] : memref<320000xi32, #tpu.memory_space<hbm>> -> memref<10000xi32, #tpu.memory_space<hbm>>
      tpu.wait_dma2 semaphore(%run_scoped3A : memref<!tpu.dma_semaphore, #tpu.memory_space<semaphore_mem>>) src(%dma_wait3A_56 : memref<10000xi32, #tpu.memory_space<hbm>>) dst(%arg7 : memref<10000xi32, #tpu.memory_space<vmem>>)
      tpu.yield
    }) : () -> ()
    "tpu.region"() ({
      %run_scoped3A = tpu.sem_alloc : memref<!tpu.dma_semaphore, #tpu.memory_space<semaphore_mem>>
      %dma_start3A_54 = arith.constant 0 : i32
      %dma_start3A_55 = tpu.memref_slice %arg10[%mul3A_2, %dma_start3A_54] : memref<10240x128xf32, #tpu.memory_space<vmem_shared>> -> memref<640x128xf32, #tpu.memory_space<vmem_shared>>
      %dma_start3A_56 = arith.constant 0 : i32
      %dma_start3A_57 = tpu.memref_slice %arg5[%mul3A_2, %dma_start3A_56] : memref<10240x128xf32, #tpu.memory_space<hbm>> -> memref<640x128xf32, #tpu.memory_space<hbm>>
      tpu.enqueue_dma source(%dma_start3A_57 : memref<640x128xf32, #tpu.memory_space<hbm>>) target(%dma_start3A_55 : memref<640x128xf32, #tpu.memory_space<vmem_shared>>) target_semaphore(%run_scoped3A : memref<!tpu.dma_semaphore, #tpu.memory_space<semaphore_mem>>)
      %dma_wait3A = arith.constant 0 : i32
      %dma_wait3A_58 = tpu.memref_slice %arg10[%mul3A_2, %dma_wait3A] : memref<10240x128xf32, #tpu.memory_space<vmem_shared>> -> memref<640x128xf32, #tpu.memory_space<vmem_shared>>
      %dma_wait3A_59 = arith.constant 0 : i32
      %dma_wait3A_60 = tpu.memref_slice %arg5[%mul3A_2, %dma_wait3A_59] : memref<10240x128xf32, #tpu.memory_space<hbm>> -> memref<640x128xf32, #tpu.memory_space<hbm>>
      tpu.wait_dma2 semaphore(%run_scoped3A : memref<!tpu.dma_semaphore, #tpu.memory_space<semaphore_mem>>) src(%dma_wait3A_60 : memref<640x128xf32, #tpu.memory_space<hbm>>) dst(%dma_wait3A_58 : memref<640x128xf32, #tpu.memory_space<vmem_shared>>)
      tpu.yield
    }) : () -> ()
    %barrier3A = arith.constant 0 : index
    tpu.barrier barrier_id(%barrier3A)
    %add3A_5 = arith.constant 0 : i32
    %add3A_6 = arith.addi %multiple_of3A, %add3A_5 : i32
    %multiple_of3A_7 = tpu.assume_multiple %add3A_6, 80 : i32
    %dma_start3A = arith.constant 0 : i32
    %dma_start3A_8 = arith.constant 0 : i32
    %dma_start3A_9 = tpu.memref_slice %arg8[%dma_start3A, %dma_start3A_8] : memref<3x80xi32, #tpu.memory_space<vmem>> -> memref<1x80xi32, #tpu.memory_space<vmem>>
    %dma_start3A_10 = tpu.memref_squeeze %dma_start3A_9 : memref<1x80xi32, #tpu.memory_space<vmem>> -> memref<80xi32, #tpu.memory_space<vmem>>
    %dma_start3A_11 = tpu.memref_slice %arg4[%multiple_of3A_7] : memref<320000xi32, #tpu.memory_space<hbm>> -> memref<80xi32, #tpu.memory_space<hbm>>
    %dma_start3A_12 = arith.constant 0 : i32
    %dma_start3A_13 = tpu.memref_slice %arg8[%dma_start3A, %dma_start3A_12] : memref<3x80xi32, #tpu.memory_space<vmem>> -> memref<1x80xi32, #tpu.memory_space<vmem>>
    %dma_start3A_14 = tpu.memref_squeeze %dma_start3A_13 : memref<1x80xi32, #tpu.memory_space<vmem>> -> memref<80xi32, #tpu.memory_space<vmem>>
    %dma_start3A_15 = tpu.memref_slice %arg4[%multiple_of3A_7] : memref<320000xi32, #tpu.memory_space<hbm>> -> memref<80xi32, #tpu.memory_space<hbm>>
    tpu.enqueue_dma source(%dma_start3A_15 : memref<80xi32, #tpu.memory_space<hbm>>) target(%dma_start3A_14 : memref<80xi32, #tpu.memory_space<vmem>>) target_semaphore(%arg14 : memref<!tpu.dma_semaphore, #tpu.memory_space<semaphore_mem>>)
    %dma_start3A_16 = arith.constant 0 : i32
    %dma_start3A_17 = arith.constant 0 : i32
    %dma_start3A_18 = arith.constant 0 : i32
    %dma_start3A_19 = tpu.memref_slice %arg9[%dma_start3A_16, %dma_start3A_17, %dma_start3A_18] : memref<3x80x128xf32, #tpu.memory_space<vmem>> -> memref<1x80x128xf32, #tpu.memory_space<vmem>>
    %dma_start3A_20 = tpu.memref_squeeze %dma_start3A_19 : memref<1x80x128xf32, #tpu.memory_space<vmem>> -> memref<80x128xf32, #tpu.memory_space<vmem>>
    %dma_start3A_21 = arith.constant 0 : i32
    %dma_start3A_22 = tpu.memref_slice %arg7[%dma_start3A_21] : memref<10000xi32, #tpu.memory_space<vmem>> -> memref<80xi32, #tpu.memory_space<vmem>>
    %dma_start3A_23 = arith.constant 0 : i32
    %dma_start3A_24 = arith.constant 0 : i32
    %dma_start3A_25 = tpu.memref_slice %arg2[%dma_start3A_23, %dma_start3A_24] : memref<10000x128xf32, #tpu.memory_space<hbm>> -> memref<10000x128xf32, #tpu.memory_space<hbm>>
    tpu.enqueue_indirect_dma source(%dma_start3A_25 : memref<10000x128xf32, #tpu.memory_space<hbm>>) target(%dma_start3A_20 : memref<80x128xf32, #tpu.memory_space<vmem>>) offsets(%dma_start3A_22 : memref<80xi32, #tpu.memory_space<vmem>>) semaphore(%arg11 : memref<!tpu.dma_semaphore, #tpu.memory_space<semaphore_mem>>)
    %add3A_26 = arith.constant 80 : i32
    %add3A_27 = arith.addi %multiple_of3A, %add3A_26 : i32
    %multiple_of3A_28 = tpu.assume_multiple %add3A_27, 80 : i32
    %dma_start3A_29 = arith.constant 1 : i32
    %dma_start3A_30 = arith.constant 0 : i32
    %dma_start3A_31 = tpu.memref_slice %arg8[%dma_start3A_29, %dma_start3A_30] : memref<3x80xi32, #tpu.memory_space<vmem>> -> memref<1x80xi32, #tpu.memory_space<vmem>>
    %dma_start3A_32 = tpu.memref_squeeze %dma_start3A_31 : memref<1x80xi32, #tpu.memory_space<vmem>> -> memref<80xi32, #tpu.memory_space<vmem>>
    %dma_start3A_33 = tpu.memref_slice %arg4[%multiple_of3A_28] : memref<320000xi32, #tpu.memory_space<hbm>> -> memref<80xi32, #tpu.memory_space<hbm>>
    %dma_start3A_34 = arith.constant 0 : i32
    %dma_start3A_35 = tpu.memref_slice %arg8[%dma_start3A_29, %dma_start3A_34] : memref<3x80xi32, #tpu.memory_space<vmem>> -> memref<1x80xi32, #tpu.memory_space<vmem>>
    %dma_start3A_36 = tpu.memref_squeeze %dma_start3A_35 : memref<1x80xi32, #tpu.memory_space<vmem>> -> memref<80xi32, #tpu.memory_space<vmem>>
    %dma_start3A_37 = tpu.memref_slice %arg4[%multiple_of3A_28] : memref<320000xi32, #tpu.memory_space<hbm>> -> memref<80xi32, #tpu.memory_space<hbm>>
    tpu.enqueue_dma source(%dma_start3A_37 : memref<80xi32, #tpu.memory_space<hbm>>) target(%dma_start3A_36 : memref<80xi32, #tpu.memory_space<vmem>>) target_semaphore(%arg15 : memref<!tpu.dma_semaphore, #tpu.memory_space<semaphore_mem>>)
    %dma_start3A_38 = arith.constant 1 : i32
    %dma_start3A_39 = arith.constant 0 : i32
    %dma_start3A_40 = arith.constant 0 : i32
    %dma_start3A_41 = tpu.memref_slice %arg9[%dma_start3A_38, %dma_start3A_39, %dma_start3A_40] : memref<3x80x128xf32, #tpu.memory_space<vmem>> -> memref<1x80x128xf32, #tpu.memory_space<vmem>>
    %dma_start3A_42 = tpu.memref_squeeze %dma_start3A_41 : memref<1x80x128xf32, #tpu.memory_space<vmem>> -> memref<80x128xf32, #tpu.memory_space<vmem>>
    %dma_start3A_43 = arith.constant 80 : i32
    %dma_start3A_44 = tpu.memref_slice %arg7[%dma_start3A_43] : memref<10000xi32, #tpu.memory_space<vmem>> -> memref<80xi32, #tpu.memory_space<vmem>>
    %dma_start3A_45 = arith.constant 0 : i32
    %dma_start3A_46 = arith.constant 0 : i32
    %dma_start3A_47 = tpu.memref_slice %arg2[%dma_start3A_45, %dma_start3A_46] : memref<10000x128xf32, #tpu.memory_space<hbm>> -> memref<10000x128xf32, #tpu.memory_space<hbm>>
    tpu.enqueue_indirect_dma source(%dma_start3A_47 : memref<10000x128xf32, #tpu.memory_space<hbm>>) target(%dma_start3A_42 : memref<80x128xf32, #tpu.memory_space<vmem>>) offsets(%dma_start3A_44 : memref<80xi32, #tpu.memory_space<vmem>>) semaphore(%arg12 : memref<!tpu.dma_semaphore, #tpu.memory_space<semaphore_mem>>)
    %scan3A = arith.constant 0 : i32
    %scan3A_48 = arith.constant 0 : i32
    %scan3A_49 = arith.constant 125 : i32
    %scan3A_50 = arith.addi %scan3A_48, %scan3A_49 : i32
    %scan3A_51 = arith.constant 1 : i32
    scf.for %scan3A_54 = %scan3A_48 to %scan3A_50 step %scan3A_51  : i32 {
      %rem3A = arith.constant 3 : i32
      %rem3A_55 = arith.remsi %scan3A_54, %rem3A : i32
      %eq3A = arith.constant 0 : i32
      %eq3A_56 = arith.cmpi eq, %rem3A_55, %eq3A : i32
      %convert_element_type3A = arith.extui %eq3A_56 : i1 to i32
      %cond3A = arith.constant 0 : i32
      %cond3A_57 = arith.cmpi ne, %convert_element_type3A, %cond3A : i32
      scf.if %cond3A_57 {
        %add3A_72 = arith.constant 3 : i32
        %add3A_73 = arith.addi %scan3A_54, %add3A_72 : i32
        %sub3A = arith.constant 1 : i32
        %sub3A_74 = arith.subi %add3A_73, %sub3A : i32
        %lt3A = arith.constant 125 : i32
        %lt3A_75 = arith.cmpi slt, %sub3A_74, %lt3A : i32
        %convert_element_type3A_76 = arith.extui %lt3A_75 : i1 to i32
        %cond3A_77 = arith.constant 0 : i32
        %cond3A_78 = arith.cmpi ne, %convert_element_type3A_76, %cond3A_77 : i32
        scf.if %cond3A_78 {
          %add3A_105 = arith.constant 3 : i32
          %add3A_106 = arith.addi %scan3A_54, %add3A_105 : i32
          %sub3A_107 = arith.constant 1 : i32
          %sub3A_108 = arith.subi %add3A_106, %sub3A_107 : i32
          %mul3A_109 = arith.constant 80 : i32
          %mul3A_110 = arith.muli %sub3A_108, %mul3A_109 : i32
          %add3A_111 = arith.addi %multiple_of3A, %mul3A_110 : i32
          %multiple_of3A_112 = tpu.assume_multiple %add3A_111, 80 : i32
          %dma_start3A_113 = arith.constant 2 : i32
          %dma_start3A_114 = arith.constant 0 : i32
          %dma_start3A_115 = tpu.memref_slice %arg8[%dma_start3A_113, %dma_start3A_114] : memref<3x80xi32, #tpu.memory_space<vmem>> -> memref<1x80xi32, #tpu.memory_space<vmem>>
          %dma_start3A_116 = tpu.memref_squeeze %dma_start3A_115 : memref<1x80xi32, #tpu.memory_space<vmem>> -> memref<80xi32, #tpu.memory_space<vmem>>
          %dma_start3A_117 = tpu.memref_slice %arg4[%multiple_of3A_112] : memref<320000xi32, #tpu.memory_space<hbm>> -> memref<80xi32, #tpu.memory_space<hbm>>
          %dma_start3A_118 = arith.constant 0 : i32
          %dma_start3A_119 = tpu.memref_slice %arg8[%dma_start3A_113, %dma_start3A_118] : memref<3x80xi32, #tpu.memory_space<vmem>> -> memref<1x80xi32, #tpu.memory_space<vmem>>
          %dma_start3A_120 = tpu.memref_squeeze %dma_start3A_119 : memref<1x80xi32, #tpu.memory_space<vmem>> -> memref<80xi32, #tpu.memory_space<vmem>>
          %dma_start3A_121 = tpu.memref_slice %arg4[%multiple_of3A_112] : memref<320000xi32, #tpu.memory_space<hbm>> -> memref<80xi32, #tpu.memory_space<hbm>>
          tpu.enqueue_dma source(%dma_start3A_121 : memref<80xi32, #tpu.memory_space<hbm>>) target(%dma_start3A_120 : memref<80xi32, #tpu.memory_space<vmem>>) target_semaphore(%arg16 : memref<!tpu.dma_semaphore, #tpu.memory_space<semaphore_mem>>)
          %mul3A_122 = arith.constant 80 : i32
          %mul3A_123 = arith.muli %sub3A_108, %mul3A_122 : i32
          %dma_start3A_124 = arith.constant 2 : i32
          %dma_start3A_125 = arith.constant 0 : i32
          %dma_start3A_126 = arith.constant 0 : i32
          %dma_start3A_127 = tpu.memref_slice %arg9[%dma_start3A_124, %dma_start3A_125, %dma_start3A_126] : memref<3x80x128xf32, #tpu.memory_space<vmem>> -> memref<1x80x128xf32, #tpu.memory_space<vmem>>
          %dma_start3A_128 = tpu.memref_squeeze %dma_start3A_127 : memref<1x80x128xf32, #tpu.memory_space<vmem>> -> memref<80x128xf32, #tpu.memory_space<vmem>>
          %dma_start3A_129 = tpu.memref_slice %arg7[%mul3A_123] : memref<10000xi32, #tpu.memory_space<vmem>> -> memref<80xi32, #tpu.memory_space<vmem>>
          %dma_start3A_130 = arith.constant 0 : i32
          %dma_start3A_131 = arith.constant 0 : i32
          %dma_start3A_132 = tpu.memref_slice %arg2[%dma_start3A_130, %dma_start3A_131] : memref<10000x128xf32, #tpu.memory_space<hbm>> -> memref<10000x128xf32, #tpu.memory_space<hbm>>
          tpu.enqueue_indirect_dma source(%dma_start3A_132 : memref<10000x128xf32, #tpu.memory_space<hbm>>) target(%dma_start3A_128 : memref<80x128xf32, #tpu.memory_space<vmem>>) offsets(%dma_start3A_129 : memref<80xi32, #tpu.memory_space<vmem>>) semaphore(%arg13 : memref<!tpu.dma_semaphore, #tpu.memory_space<semaphore_mem>>)
        } else {
        }
        %dma_wait3A = arith.constant 0 : i32
        %dma_wait3A_79 = arith.constant 0 : i32
        %dma_wait3A_80 = tpu.memref_slice %arg8[%dma_wait3A, %dma_wait3A_79] : memref<3x80xi32, #tpu.memory_space<vmem>> -> memref<1x80xi32, #tpu.memory_space<vmem>>
        %dma_wait3A_81 = tpu.memref_squeeze %dma_wait3A_80 : memref<1x80xi32, #tpu.memory_space<vmem>> -> memref<80xi32, #tpu.memory_space<vmem>>
        %dma_wait3A_82 = arith.constant 0 : i32
        %dma_wait3A_83 = tpu.memref_slice %arg4[%dma_wait3A_82] : memref<320000xi32, #tpu.memory_space<hbm>> -> memref<80xi32, #tpu.memory_space<hbm>>
        %dma_wait3A_84 = arith.constant 0 : i32
        %dma_wait3A_85 = tpu.memref_slice %arg8[%dma_wait3A, %dma_wait3A_84] : memref<3x80xi32, #tpu.memory_space<vmem>> -> memref<1x80xi32, #tpu.memory_space<vmem>>
        %dma_wait3A_86 = tpu.memref_squeeze %dma_wait3A_85 : memref<1x80xi32, #tpu.memory_space<vmem>> -> memref<80xi32, #tpu.memory_space<vmem>>
        %dma_wait3A_87 = arith.constant 0 : i32
        %dma_wait3A_88 = tpu.memref_slice %arg4[%dma_wait3A_87] : memref<320000xi32, #tpu.memory_space<hbm>> -> memref<80xi32, #tpu.memory_space<hbm>>
        tpu.wait_dma2 semaphore(%arg14 : memref<!tpu.dma_semaphore, #tpu.memory_space<semaphore_mem>>) src(%dma_wait3A_88 : memref<80xi32, #tpu.memory_space<hbm>>) dst(%dma_wait3A_86 : memref<80xi32, #tpu.memory_space<vmem>>)
        %dma_wait3A_89 = arith.constant 0 : i32
        %dma_wait3A_90 = arith.constant 0 : i32
        %dma_wait3A_91 = arith.constant 0 : i32
        %dma_wait3A_92 = tpu.memref_slice %arg9[%dma_wait3A_89, %dma_wait3A_90, %dma_wait3A_91] : memref<3x80x128xf32, #tpu.memory_space<vmem>> -> memref<1x80x128xf32, #tpu.memory_space<vmem>>
        %dma_wait3A_93 = tpu.memref_squeeze %dma_wait3A_92 : memref<1x80x128xf32, #tpu.memory_space<vmem>> -> memref<80x128xf32, #tpu.memory_space<vmem>>
        %dma_wait3A_94 = arith.constant 0 : i32
        %dma_wait3A_95 = arith.constant 0 : i32
        %dma_wait3A_96 = tpu.memref_slice %arg2[%dma_wait3A_94, %dma_wait3A_95] : memref<10000x128xf32, #tpu.memory_space<hbm>> -> memref<80x128xf32, #tpu.memory_space<hbm>>
        %dma_wait3A_97 = arith.constant 0 : i32
        %dma_wait3A_98 = arith.constant 0 : i32
        %dma_wait3A_99 = tpu.memref_slice %arg9[%dma_wait3A_89, %dma_wait3A_97, %dma_wait3A_98] : memref<3x80x128xf32, #tpu.memory_space<vmem>> -> memref<1x80x128xf32, #tpu.memory_space<vmem>>
        %dma_wait3A_100 = tpu.memref_squeeze %dma_wait3A_99 : memref<1x80x128xf32, #tpu.memory_space<vmem>> -> memref<80x128xf32, #tpu.memory_space<vmem>>
        %dma_wait3A_101 = arith.constant 0 : i32
        %dma_wait3A_102 = arith.constant 0 : i32
        %dma_wait3A_103 = tpu.memref_slice %arg2[%dma_wait3A_101, %dma_wait3A_102] : memref<10000x128xf32, #tpu.memory_space<hbm>> -> memref<80x128xf32, #tpu.memory_space<hbm>>
        tpu.wait_dma2 semaphore(%arg11 : memref<!tpu.dma_semaphore, #tpu.memory_space<semaphore_mem>>) src(%dma_wait3A_103 : memref<80x128xf32, #tpu.memory_space<hbm>>) dst(%dma_wait3A_100 : memref<80x128xf32, #tpu.memory_space<vmem>>)
        %run_scoped3A = arith.constant 0 : i32
        %run_scoped3A_104 = arith.constant 0 : i32
        "tpu.region"() ({
          %run_scoped3A_105 = tpu.sem_alloc : memref<!tpu.dma_semaphore, #tpu.memory_space<semaphore_mem>>
          %dma_start3A_106 = arith.constant 0 : i32
          %dma_start3A_107 = arith.constant 0 : i32
          %dma_start3A_108 = tpu.memref_slice %arg9[%run_scoped3A, %dma_start3A_106, %dma_start3A_107] : memref<3x80x128xf32, #tpu.memory_space<vmem>> -> memref<1x80x128xf32, #tpu.memory_space<vmem>>
          %dma_start3A_109 = tpu.memref_squeeze %dma_start3A_108 : memref<1x80x128xf32, #tpu.memory_space<vmem>> -> memref<80x128xf32, #tpu.memory_space<vmem>>
          %dma_start3A_110 = arith.constant 0 : i32
          %dma_start3A_111 = tpu.memref_slice %arg8[%run_scoped3A_104, %dma_start3A_110] : memref<3x80xi32, #tpu.memory_space<vmem>> -> memref<1x80xi32, #tpu.memory_space<vmem>>
          %dma_start3A_112 = tpu.memref_squeeze %dma_start3A_111 : memref<1x80xi32, #tpu.memory_space<vmem>> -> memref<80xi32, #tpu.memory_space<vmem>>
          %dma_start3A_113 = arith.constant 0 : i32
          %dma_start3A_114 = arith.constant 0 : i32
          %dma_start3A_115 = tpu.memref_slice %arg10[%dma_start3A_113, %dma_start3A_114] : memref<10240x128xf32, #tpu.memory_space<vmem_shared>> -> memref<10240x128xf32, #tpu.memory_space<vmem_shared>>
          tpu.enqueue_indirect_dma source(%dma_start3A_109 : memref<80x128xf32, #tpu.memory_space<vmem>>) target(%dma_start3A_115 : memref<10240x128xf32, #tpu.memory_space<vmem_shared>>) offsets(%dma_start3A_112 : memref<80xi32, #tpu.memory_space<vmem>>) semaphore(%run_scoped3A_105 : memref<!tpu.dma_semaphore, #tpu.memory_space<semaphore_mem>>) {add = true}
          %dma_wait3A_116 = arith.constant 0 : i32
          %dma_wait3A_117 = arith.constant 0 : i32
          %dma_wait3A_118 = tpu.memref_slice %arg9[%run_scoped3A, %dma_wait3A_116, %dma_wait3A_117] : memref<3x80x128xf32, #tpu.memory_space<vmem>> -> memref<1x80x128xf32, #tpu.memory_space<vmem>>
          %dma_wait3A_119 = tpu.memref_squeeze %dma_wait3A_118 : memref<1x80x128xf32, #tpu.memory_space<vmem>> -> memref<80x128xf32, #tpu.memory_space<vmem>>
          %dma_wait3A_120 = arith.constant 0 : i32
          %dma_wait3A_121 = tpu.memref_slice %arg8[%run_scoped3A_104, %dma_wait3A_120] : memref<3x80xi32, #tpu.memory_space<vmem>> -> memref<1x80xi32, #tpu.memory_space<vmem>>
          %dma_wait3A_122 = tpu.memref_squeeze %dma_wait3A_121 : memref<1x80xi32, #tpu.memory_space<vmem>> -> memref<80xi32, #tpu.memory_space<vmem>>
          %dma_wait3A_123 = arith.constant 0 : i32
          %dma_wait3A_124 = arith.constant 0 : i32
          %dma_wait3A_125 = tpu.memref_slice %arg10[%dma_wait3A_123, %dma_wait3A_124] : memref<10240x128xf32, #tpu.memory_space<vmem_shared>> -> memref<10240x128xf32, #tpu.memory_space<vmem_shared>>
          tpu.wait_indirect_dma semaphore(%run_scoped3A_105 : memref<!tpu.dma_semaphore, #tpu.memory_space<semaphore_mem>>) src(%dma_wait3A_119 : memref<80x128xf32, #tpu.memory_space<vmem>>) dst(%dma_wait3A_125 : memref<10240x128xf32, #tpu.memory_space<vmem_shared>>)
          tpu.yield
        }) : () -> ()
      } else {
      }
      %rem3A_58 = arith.constant 3 : i32
      %rem3A_59 = arith.remsi %scan3A_54, %rem3A_58 : i32
      %eq3A_60 = arith.constant 1 : i32
      %eq3A_61 = arith.cmpi eq, %rem3A_59, %eq3A_60 : i32
      %convert_element_type3A_62 = arith.extui %eq3A_61 : i1 to i32
      %cond3A_63 = arith.constant 0 : i32
      %cond3A_64 = arith.cmpi ne, %convert_element_type3A_62, %cond3A_63 : i32
      scf.if %cond3A_64 {
        %add3A_72 = arith.constant 3 : i32
        %add3A_73 = arith.addi %scan3A_54, %add3A_72 : i32
        %sub3A = arith.constant 1 : i32
        %sub3A_74 = arith.subi %add3A_73, %sub3A : i32
        %lt3A = arith.constant 125 : i32
        %lt3A_75 = arith.cmpi slt, %sub3A_74, %lt3A : i32
        %convert_element_type3A_76 = arith.extui %lt3A_75 : i1 to i32
        %cond3A_77 = arith.constant 0 : i32
        %cond3A_78 = arith.cmpi ne, %convert_element_type3A_76, %cond3A_77 : i32
        scf.if %cond3A_78 {
          %add3A_105 = arith.constant 3 : i32
          %add3A_106 = arith.addi %scan3A_54, %add3A_105 : i32
          %sub3A_107 = arith.constant 1 : i32
          %sub3A_108 = arith.subi %add3A_106, %sub3A_107 : i32
          %mul3A_109 = arith.constant 80 : i32
          %mul3A_110 = arith.muli %sub3A_108, %mul3A_109 : i32
          %add3A_111 = arith.addi %multiple_of3A, %mul3A_110 : i32
          %multiple_of3A_112 = tpu.assume_multiple %add3A_111, 80 : i32
          %dma_start3A_113 = arith.constant 0 : i32
          %dma_start3A_114 = arith.constant 0 : i32
          %dma_start3A_115 = tpu.memref_slice %arg8[%dma_start3A_113, %dma_start3A_114] : memref<3x80xi32, #tpu.memory_space<vmem>> -> memref<1x80xi32, #tpu.memory_space<vmem>>
          %dma_start3A_116 = tpu.memref_squeeze %dma_start3A_115 : memref<1x80xi32, #tpu.memory_space<vmem>> -> memref<80xi32, #tpu.memory_space<vmem>>
          %dma_start3A_117 = tpu.memref_slice %arg4[%multiple_of3A_112] : memref<320000xi32, #tpu.memory_space<hbm>> -> memref<80xi32, #tpu.memory_space<hbm>>
          %dma_start3A_118 = arith.constant 0 : i32
          %dma_start3A_119 = tpu.memref_slice %arg8[%dma_start3A_113, %dma_start3A_118] : memref<3x80xi32, #tpu.memory_space<vmem>> -> memref<1x80xi32, #tpu.memory_space<vmem>>
          %dma_start3A_120 = tpu.memref_squeeze %dma_start3A_119 : memref<1x80xi32, #tpu.memory_space<vmem>> -> memref<80xi32, #tpu.memory_space<vmem>>
          %dma_start3A_121 = tpu.memref_slice %arg4[%multiple_of3A_112] : memref<320000xi32, #tpu.memory_space<hbm>> -> memref<80xi32, #tpu.memory_space<hbm>>
          tpu.enqueue_dma source(%dma_start3A_121 : memref<80xi32, #tpu.memory_space<hbm>>) target(%dma_start3A_120 : memref<80xi32, #tpu.memory_space<vmem>>) target_semaphore(%arg14 : memref<!tpu.dma_semaphore, #tpu.memory_space<semaphore_mem>>)
          %mul3A_122 = arith.constant 80 : i32
          %mul3A_123 = arith.muli %sub3A_108, %mul3A_122 : i32
          %dma_start3A_124 = arith.constant 0 : i32
          %dma_start3A_125 = arith.constant 0 : i32
          %dma_start3A_126 = arith.constant 0 : i32
          %dma_start3A_127 = tpu.memref_slice %arg9[%dma_start3A_124, %dma_start3A_125, %dma_start3A_126] : memref<3x80x128xf32, #tpu.memory_space<vmem>> -> memref<1x80x128xf32, #tpu.memory_space<vmem>>
          %dma_start3A_128 = tpu.memref_squeeze %dma_start3A_127 : memref<1x80x128xf32, #tpu.memory_space<vmem>> -> memref<80x128xf32, #tpu.memory_space<vmem>>
          %dma_start3A_129 = tpu.memref_slice %arg7[%mul3A_123] : memref<10000xi32, #tpu.memory_space<vmem>> -> memref<80xi32, #tpu.memory_space<vmem>>
          %dma_start3A_130 = arith.constant 0 : i32
          %dma_start3A_131 = arith.constant 0 : i32
          %dma_start3A_132 = tpu.memref_slice %arg2[%dma_start3A_130, %dma_start3A_131] : memref<10000x128xf32, #tpu.memory_space<hbm>> -> memref<10000x128xf32, #tpu.memory_space<hbm>>
          tpu.enqueue_indirect_dma source(%dma_start3A_132 : memref<10000x128xf32, #tpu.memory_space<hbm>>) target(%dma_start3A_128 : memref<80x128xf32, #tpu.memory_space<vmem>>) offsets(%dma_start3A_129 : memref<80xi32, #tpu.memory_space<vmem>>) semaphore(%arg11 : memref<!tpu.dma_semaphore, #tpu.memory_space<semaphore_mem>>)
        } else {
        }
        %dma_wait3A = arith.constant 1 : i32
        %dma_wait3A_79 = arith.constant 0 : i32
        %dma_wait3A_80 = tpu.memref_slice %arg8[%dma_wait3A, %dma_wait3A_79] : memref<3x80xi32, #tpu.memory_space<vmem>> -> memref<1x80xi32, #tpu.memory_space<vmem>>
        %dma_wait3A_81 = tpu.memref_squeeze %dma_wait3A_80 : memref<1x80xi32, #tpu.memory_space<vmem>> -> memref<80xi32, #tpu.memory_space<vmem>>
        %dma_wait3A_82 = arith.constant 0 : i32
        %dma_wait3A_83 = tpu.memref_slice %arg4[%dma_wait3A_82] : memref<320000xi32, #tpu.memory_space<hbm>> -> memref<80xi32, #tpu.memory_space<hbm>>
        %dma_wait3A_84 = arith.constant 0 : i32
        %dma_wait3A_85 = tpu.memref_slice %arg8[%dma_wait3A, %dma_wait3A_84] : memref<3x80xi32, #tpu.memory_space<vmem>> -> memref<1x80xi32, #tpu.memory_space<vmem>>
        %dma_wait3A_86 = tpu.memref_squeeze %dma_wait3A_85 : memref<1x80xi32, #tpu.memory_space<vmem>> -> memref<80xi32, #tpu.memory_space<vmem>>
        %dma_wait3A_87 = arith.constant 0 : i32
        %dma_wait3A_88 = tpu.memref_slice %arg4[%dma_wait3A_87] : memref<320000xi32, #tpu.memory_space<hbm>> -> memref<80xi32, #tpu.memory_space<hbm>>
        tpu.wait_dma2 semaphore(%arg15 : memref<!tpu.dma_semaphore, #tpu.memory_space<semaphore_mem>>) src(%dma_wait3A_88 : memref<80xi32, #tpu.memory_space<hbm>>) dst(%dma_wait3A_86 : memref<80xi32, #tpu.memory_space<vmem>>)
        %dma_wait3A_89 = arith.constant 1 : i32
        %dma_wait3A_90 = arith.constant 0 : i32
        %dma_wait3A_91 = arith.constant 0 : i32
        %dma_wait3A_92 = tpu.memref_slice %arg9[%dma_wait3A_89, %dma_wait3A_90, %dma_wait3A_91] : memref<3x80x128xf32, #tpu.memory_space<vmem>> -> memref<1x80x128xf32, #tpu.memory_space<vmem>>
        %dma_wait3A_93 = tpu.memref_squeeze %dma_wait3A_92 : memref<1x80x128xf32, #tpu.memory_space<vmem>> -> memref<80x128xf32, #tpu.memory_space<vmem>>
        %dma_wait3A_94 = arith.constant 0 : i32
        %dma_wait3A_95 = arith.constant 0 : i32
        %dma_wait3A_96 = tpu.memref_slice %arg2[%dma_wait3A_94, %dma_wait3A_95] : memref<10000x128xf32, #tpu.memory_space<hbm>> -> memref<80x128xf32, #tpu.memory_space<hbm>>
        %dma_wait3A_97 = arith.constant 0 : i32
        %dma_wait3A_98 = arith.constant 0 : i32
        %dma_wait3A_99 = tpu.memref_slice %arg9[%dma_wait3A_89, %dma_wait3A_97, %dma_wait3A_98] : memref<3x80x128xf32, #tpu.memory_space<vmem>> -> memref<1x80x128xf32, #tpu.memory_space<vmem>>
        %dma_wait3A_100 = tpu.memref_squeeze %dma_wait3A_99 : memref<1x80x128xf32, #tpu.memory_space<vmem>> -> memref<80x128xf32, #tpu.memory_space<vmem>>
        %dma_wait3A_101 = arith.constant 0 : i32
        %dma_wait3A_102 = arith.constant 0 : i32
        %dma_wait3A_103 = tpu.memref_slice %arg2[%dma_wait3A_101, %dma_wait3A_102] : memref<10000x128xf32, #tpu.memory_space<hbm>> -> memref<80x128xf32, #tpu.memory_space<hbm>>
        tpu.wait_dma2 semaphore(%arg12 : memref<!tpu.dma_semaphore, #tpu.memory_space<semaphore_mem>>) src(%dma_wait3A_103 : memref<80x128xf32, #tpu.memory_space<hbm>>) dst(%dma_wait3A_100 : memref<80x128xf32, #tpu.memory_space<vmem>>)
        %run_scoped3A = arith.constant 1 : i32
        %run_scoped3A_104 = arith.constant 1 : i32
        "tpu.region"() ({
          %run_scoped3A_105 = tpu.sem_alloc : memref<!tpu.dma_semaphore, #tpu.memory_space<semaphore_mem>>
          %dma_start3A_106 = arith.constant 0 : i32
          %dma_start3A_107 = arith.constant 0 : i32
          %dma_start3A_108 = tpu.memref_slice %arg9[%run_scoped3A, %dma_start3A_106, %dma_start3A_107] : memref<3x80x128xf32, #tpu.memory_space<vmem>> -> memref<1x80x128xf32, #tpu.memory_space<vmem>>
          %dma_start3A_109 = tpu.memref_squeeze %dma_start3A_108 : memref<1x80x128xf32, #tpu.memory_space<vmem>> -> memref<80x128xf32, #tpu.memory_space<vmem>>
          %dma_start3A_110 = arith.constant 0 : i32
          %dma_start3A_111 = tpu.memref_slice %arg8[%run_scoped3A_104, %dma_start3A_110] : memref<3x80xi32, #tpu.memory_space<vmem>> -> memref<1x80xi32, #tpu.memory_space<vmem>>
          %dma_start3A_112 = tpu.memref_squeeze %dma_start3A_111 : memref<1x80xi32, #tpu.memory_space<vmem>> -> memref<80xi32, #tpu.memory_space<vmem>>
          %dma_start3A_113 = arith.constant 0 : i32
          %dma_start3A_114 = arith.constant 0 : i32
          %dma_start3A_115 = tpu.memref_slice %arg10[%dma_start3A_113, %dma_start3A_114] : memref<10240x128xf32, #tpu.memory_space<vmem_shared>> -> memref<10240x128xf32, #tpu.memory_space<vmem_shared>>
          tpu.enqueue_indirect_dma source(%dma_start3A_109 : memref<80x128xf32, #tpu.memory_space<vmem>>) target(%dma_start3A_115 : memref<10240x128xf32, #tpu.memory_space<vmem_shared>>) offsets(%dma_start3A_112 : memref<80xi32, #tpu.memory_space<vmem>>) semaphore(%run_scoped3A_105 : memref<!tpu.dma_semaphore, #tpu.memory_space<semaphore_mem>>) {add = true}
          %dma_wait3A_116 = arith.constant 0 : i32
          %dma_wait3A_117 = arith.constant 0 : i32
          %dma_wait3A_118 = tpu.memref_slice %arg9[%run_scoped3A, %dma_wait3A_116, %dma_wait3A_117] : memref<3x80x128xf32, #tpu.memory_space<vmem>> -> memref<1x80x128xf32, #tpu.memory_space<vmem>>
          %dma_wait3A_119 = tpu.memref_squeeze %dma_wait3A_118 : memref<1x80x128xf32, #tpu.memory_space<vmem>> -> memref<80x128xf32, #tpu.memory_space<vmem>>
          %dma_wait3A_120 = arith.constant 0 : i32
          %dma_wait3A_121 = tpu.memref_slice %arg8[%run_scoped3A_104, %dma_wait3A_120] : memref<3x80xi32, #tpu.memory_space<vmem>> -> memref<1x80xi32, #tpu.memory_space<vmem>>
          %dma_wait3A_122 = tpu.memref_squeeze %dma_wait3A_121 : memref<1x80xi32, #tpu.memory_space<vmem>> -> memref<80xi32, #tpu.memory_space<vmem>>
          %dma_wait3A_123 = arith.constant 0 : i32
          %dma_wait3A_124 = arith.constant 0 : i32
          %dma_wait3A_125 = tpu.memref_slice %arg10[%dma_wait3A_123, %dma_wait3A_124] : memref<10240x128xf32, #tpu.memory_space<vmem_shared>> -> memref<10240x128xf32, #tpu.memory_space<vmem_shared>>
          tpu.wait_indirect_dma semaphore(%run_scoped3A_105 : memref<!tpu.dma_semaphore, #tpu.memory_space<semaphore_mem>>) src(%dma_wait3A_119 : memref<80x128xf32, #tpu.memory_space<vmem>>) dst(%dma_wait3A_125 : memref<10240x128xf32, #tpu.memory_space<vmem_shared>>)
          tpu.yield
        }) : () -> ()
      } else {
      }
      %rem3A_65 = arith.constant 3 : i32
      %rem3A_66 = arith.remsi %scan3A_54, %rem3A_65 : i32
      %eq3A_67 = arith.constant 2 : i32
      %eq3A_68 = arith.cmpi eq, %rem3A_66, %eq3A_67 : i32
      %convert_element_type3A_69 = arith.extui %eq3A_68 : i1 to i32
      %cond3A_70 = arith.constant 0 : i32
      %cond3A_71 = arith.cmpi ne, %convert_element_type3A_69, %cond3A_70 : i32
      scf.if %cond3A_71 {
        %add3A_72 = arith.constant 3 : i32
        %add3A_73 = arith.addi %scan3A_54, %add3A_72 : i32
        %sub3A = arith.constant 1 : i32
        %sub3A_74 = arith.subi %add3A_73, %sub3A : i32
        %lt3A = arith.constant 125 : i32
        %lt3A_75 = arith.cmpi slt, %sub3A_74, %lt3A : i32
        %convert_element_type3A_76 = arith.extui %lt3A_75 : i1 to i32
        %cond3A_77 = arith.constant 0 : i32
        %cond3A_78 = arith.cmpi ne, %convert_element_type3A_76, %cond3A_77 : i32
        scf.if %cond3A_78 {
          %add3A_105 = arith.constant 3 : i32
          %add3A_106 = arith.addi %scan3A_54, %add3A_105 : i32
          %sub3A_107 = arith.constant 1 : i32
          %sub3A_108 = arith.subi %add3A_106, %sub3A_107 : i32
          %mul3A_109 = arith.constant 80 : i32
          %mul3A_110 = arith.muli %sub3A_108, %mul3A_109 : i32
          %add3A_111 = arith.addi %multiple_of3A, %mul3A_110 : i32
          %multiple_of3A_112 = tpu.assume_multiple %add3A_111, 80 : i32
          %dma_start3A_113 = arith.constant 1 : i32
          %dma_start3A_114 = arith.constant 0 : i32
          %dma_start3A_115 = tpu.memref_slice %arg8[%dma_start3A_113, %dma_start3A_114] : memref<3x80xi32, #tpu.memory_space<vmem>> -> memref<1x80xi32, #tpu.memory_space<vmem>>
          %dma_start3A_116 = tpu.memref_squeeze %dma_start3A_115 : memref<1x80xi32, #tpu.memory_space<vmem>> -> memref<80xi32, #tpu.memory_space<vmem>>
          %dma_start3A_117 = tpu.memref_slice %arg4[%multiple_of3A_112] : memref<320000xi32, #tpu.memory_space<hbm>> -> memref<80xi32, #tpu.memory_space<hbm>>
          %dma_start3A_118 = arith.constant 0 : i32
          %dma_start3A_119 = tpu.memref_slice %arg8[%dma_start3A_113, %dma_start3A_118] : memref<3x80xi32, #tpu.memory_space<vmem>> -> memref<1x80xi32, #tpu.memory_space<vmem>>
          %dma_start3A_120 = tpu.memref_squeeze %dma_start3A_119 : memref<1x80xi32, #tpu.memory_space<vmem>> -> memref<80xi32, #tpu.memory_space<vmem>>
          %dma_start3A_121 = tpu.memref_slice %arg4[%multiple_of3A_112] : memref<320000xi32, #tpu.memory_space<hbm>> -> memref<80xi32, #tpu.memory_space<hbm>>
          tpu.enqueue_dma source(%dma_start3A_121 : memref<80xi32, #tpu.memory_space<hbm>>) target(%dma_start3A_120 : memref<80xi32, #tpu.memory_space<vmem>>) target_semaphore(%arg15 : memref<!tpu.dma_semaphore, #tpu.memory_space<semaphore_mem>>)
          %mul3A_122 = arith.constant 80 : i32
          %mul3A_123 = arith.muli %sub3A_108, %mul3A_122 : i32
          %dma_start3A_124 = arith.constant 1 : i32
          %dma_start3A_125 = arith.constant 0 : i32
          %dma_start3A_126 = arith.constant 0 : i32
          %dma_start3A_127 = tpu.memref_slice %arg9[%dma_start3A_124, %dma_start3A_125, %dma_start3A_126] : memref<3x80x128xf32, #tpu.memory_space<vmem>> -> memref<1x80x128xf32, #tpu.memory_space<vmem>>
          %dma_start3A_128 = tpu.memref_squeeze %dma_start3A_127 : memref<1x80x128xf32, #tpu.memory_space<vmem>> -> memref<80x128xf32, #tpu.memory_space<vmem>>
          %dma_start3A_129 = tpu.memref_slice %arg7[%mul3A_123] : memref<10000xi32, #tpu.memory_space<vmem>> -> memref<80xi32, #tpu.memory_space<vmem>>
          %dma_start3A_130 = arith.constant 0 : i32
          %dma_start3A_131 = arith.constant 0 : i32
          %dma_start3A_132 = tpu.memref_slice %arg2[%dma_start3A_130, %dma_start3A_131] : memref<10000x128xf32, #tpu.memory_space<hbm>> -> memref<10000x128xf32, #tpu.memory_space<hbm>>
          tpu.enqueue_indirect_dma source(%dma_start3A_132 : memref<10000x128xf32, #tpu.memory_space<hbm>>) target(%dma_start3A_128 : memref<80x128xf32, #tpu.memory_space<vmem>>) offsets(%dma_start3A_129 : memref<80xi32, #tpu.memory_space<vmem>>) semaphore(%arg12 : memref<!tpu.dma_semaphore, #tpu.memory_space<semaphore_mem>>)
        } else {
        }
        %dma_wait3A = arith.constant 2 : i32
        %dma_wait3A_79 = arith.constant 0 : i32
        %dma_wait3A_80 = tpu.memref_slice %arg8[%dma_wait3A, %dma_wait3A_79] : memref<3x80xi32, #tpu.memory_space<vmem>> -> memref<1x80xi32, #tpu.memory_space<vmem>>
        %dma_wait3A_81 = tpu.memref_squeeze %dma_wait3A_80 : memref<1x80xi32, #tpu.memory_space<vmem>> -> memref<80xi32, #tpu.memory_space<vmem>>
        %dma_wait3A_82 = arith.constant 0 : i32
        %dma_wait3A_83 = tpu.memref_slice %arg4[%dma_wait3A_82] : memref<320000xi32, #tpu.memory_space<hbm>> -> memref<80xi32, #tpu.memory_space<hbm>>
        %dma_wait3A_84 = arith.constant 0 : i32
        %dma_wait3A_85 = tpu.memref_slice %arg8[%dma_wait3A, %dma_wait3A_84] : memref<3x80xi32, #tpu.memory_space<vmem>> -> memref<1x80xi32, #tpu.memory_space<vmem>>
        %dma_wait3A_86 = tpu.memref_squeeze %dma_wait3A_85 : memref<1x80xi32, #tpu.memory_space<vmem>> -> memref<80xi32, #tpu.memory_space<vmem>>
        %dma_wait3A_87 = arith.constant 0 : i32
        %dma_wait3A_88 = tpu.memref_slice %arg4[%dma_wait3A_87] : memref<320000xi32, #tpu.memory_space<hbm>> -> memref<80xi32, #tpu.memory_space<hbm>>
        tpu.wait_dma2 semaphore(%arg16 : memref<!tpu.dma_semaphore, #tpu.memory_space<semaphore_mem>>) src(%dma_wait3A_88 : memref<80xi32, #tpu.memory_space<hbm>>) dst(%dma_wait3A_86 : memref<80xi32, #tpu.memory_space<vmem>>)
        %dma_wait3A_89 = arith.constant 2 : i32
        %dma_wait3A_90 = arith.constant 0 : i32
        %dma_wait3A_91 = arith.constant 0 : i32
        %dma_wait3A_92 = tpu.memref_slice %arg9[%dma_wait3A_89, %dma_wait3A_90, %dma_wait3A_91] : memref<3x80x128xf32, #tpu.memory_space<vmem>> -> memref<1x80x128xf32, #tpu.memory_space<vmem>>
        %dma_wait3A_93 = tpu.memref_squeeze %dma_wait3A_92 : memref<1x80x128xf32, #tpu.memory_space<vmem>> -> memref<80x128xf32, #tpu.memory_space<vmem>>
        %dma_wait3A_94 = arith.constant 0 : i32
        %dma_wait3A_95 = arith.constant 0 : i32
        %dma_wait3A_96 = tpu.memref_slice %arg2[%dma_wait3A_94, %dma_wait3A_95] : memref<10000x128xf32, #tpu.memory_space<hbm>> -> memref<80x128xf32, #tpu.memory_space<hbm>>
        %dma_wait3A_97 = arith.constant 0 : i32
        %dma_wait3A_98 = arith.constant 0 : i32
        %dma_wait3A_99 = tpu.memref_slice %arg9[%dma_wait3A_89, %dma_wait3A_97, %dma_wait3A_98] : memref<3x80x128xf32, #tpu.memory_space<vmem>> -> memref<1x80x128xf32, #tpu.memory_space<vmem>>
        %dma_wait3A_100 = tpu.memref_squeeze %dma_wait3A_99 : memref<1x80x128xf32, #tpu.memory_space<vmem>> -> memref<80x128xf32, #tpu.memory_space<vmem>>
        %dma_wait3A_101 = arith.constant 0 : i32
        %dma_wait3A_102 = arith.constant 0 : i32
        %dma_wait3A_103 = tpu.memref_slice %arg2[%dma_wait3A_101, %dma_wait3A_102] : memref<10000x128xf32, #tpu.memory_space<hbm>> -> memref<80x128xf32, #tpu.memory_space<hbm>>
        tpu.wait_dma2 semaphore(%arg13 : memref<!tpu.dma_semaphore, #tpu.memory_space<semaphore_mem>>) src(%dma_wait3A_103 : memref<80x128xf32, #tpu.memory_space<hbm>>) dst(%dma_wait3A_100 : memref<80x128xf32, #tpu.memory_space<vmem>>)
        %run_scoped3A = arith.constant 2 : i32
        %run_scoped3A_104 = arith.constant 2 : i32
        "tpu.region"() ({
          %run_scoped3A_105 = tpu.sem_alloc : memref<!tpu.dma_semaphore, #tpu.memory_space<semaphore_mem>>
          %dma_start3A_106 = arith.constant 0 : i32
          %dma_start3A_107 = arith.constant 0 : i32
          %dma_start3A_108 = tpu.memref_slice %arg9[%run_scoped3A, %dma_start3A_106, %dma_start3A_107] : memref<3x80x128xf32, #tpu.memory_space<vmem>> -> memref<1x80x128xf32, #tpu.memory_space<vmem>>
          %dma_start3A_109 = tpu.memref_squeeze %dma_start3A_108 : memref<1x80x128xf32, #tpu.memory_space<vmem>> -> memref<80x128xf32, #tpu.memory_space<vmem>>
          %dma_start3A_110 = arith.constant 0 : i32
          %dma_start3A_111 = tpu.memref_slice %arg8[%run_scoped3A_104, %dma_start3A_110] : memref<3x80xi32, #tpu.memory_space<vmem>> -> memref<1x80xi32, #tpu.memory_space<vmem>>
          %dma_start3A_112 = tpu.memref_squeeze %dma_start3A_111 : memref<1x80xi32, #tpu.memory_space<vmem>> -> memref<80xi32, #tpu.memory_space<vmem>>
          %dma_start3A_113 = arith.constant 0 : i32
          %dma_start3A_114 = arith.constant 0 : i32
          %dma_start3A_115 = tpu.memref_slice %arg10[%dma_start3A_113, %dma_start3A_114] : memref<10240x128xf32, #tpu.memory_space<vmem_shared>> -> memref<10240x128xf32, #tpu.memory_space<vmem_shared>>
          tpu.enqueue_indirect_dma source(%dma_start3A_109 : memref<80x128xf32, #tpu.memory_space<vmem>>) target(%dma_start3A_115 : memref<10240x128xf32, #tpu.memory_space<vmem_shared>>) offsets(%dma_start3A_112 : memref<80xi32, #tpu.memory_space<vmem>>) semaphore(%run_scoped3A_105 : memref<!tpu.dma_semaphore, #tpu.memory_space<semaphore_mem>>) {add = true}
          %dma_wait3A_116 = arith.constant 0 : i32
          %dma_wait3A_117 = arith.constant 0 : i32
          %dma_wait3A_118 = tpu.memref_slice %arg9[%run_scoped3A, %dma_wait3A_116, %dma_wait3A_117] : memref<3x80x128xf32, #tpu.memory_space<vmem>> -> memref<1x80x128xf32, #tpu.memory_space<vmem>>
          %dma_wait3A_119 = tpu.memref_squeeze %dma_wait3A_118 : memref<1x80x128xf32, #tpu.memory_space<vmem>> -> memref<80x128xf32, #tpu.memory_space<vmem>>
          %dma_wait3A_120 = arith.constant 0 : i32
          %dma_wait3A_121 = tpu.memref_slice %arg8[%run_scoped3A_104, %dma_wait3A_120] : memref<3x80xi32, #tpu.memory_space<vmem>> -> memref<1x80xi32, #tpu.memory_space<vmem>>
          %dma_wait3A_122 = tpu.memref_squeeze %dma_wait3A_121 : memref<1x80xi32, #tpu.memory_space<vmem>> -> memref<80xi32, #tpu.memory_space<vmem>>
          %dma_wait3A_123 = arith.constant 0 : i32
          %dma_wait3A_124 = arith.constant 0 : i32
          %dma_wait3A_125 = tpu.memref_slice %arg10[%dma_wait3A_123, %dma_wait3A_124] : memref<10240x128xf32, #tpu.memory_space<vmem_shared>> -> memref<10240x128xf32, #tpu.memory_space<vmem_shared>>
          tpu.wait_indirect_dma semaphore(%run_scoped3A_105 : memref<!tpu.dma_semaphore, #tpu.memory_space<semaphore_mem>>) src(%dma_wait3A_119 : memref<80x128xf32, #tpu.memory_space<vmem>>) dst(%dma_wait3A_125 : memref<10240x128xf32, #tpu.memory_space<vmem_shared>>)
          tpu.yield
        }) : () -> ()
      } else {
      }
    }
    %scan3A_52 = arith.constant 125 : i32
    %barrier3A_53 = arith.constant 0 : index
    tpu.barrier barrier_id(%barrier3A_53)
    "tpu.region"() ({
      %run_scoped3A = tpu.sem_alloc : memref<!tpu.dma_semaphore, #tpu.memory_space<semaphore_mem>>
      %dma_start3A_54 = arith.constant 0 : i32
      %dma_start3A_55 = tpu.memref_slice %arg6[%arg0, %mul3A_2, %dma_start3A_54] : memref<2x10240x128xf32, #tpu.memory_space<hbm>> -> memref<1x640x128xf32, #tpu.memory_space<hbm>>
      %dma_start3A_56 = tpu.memref_squeeze %dma_start3A_55 : memref<1x640x128xf32, #tpu.memory_space<hbm>> -> memref<640x128xf32, #tpu.memory_space<hbm>>
      %dma_start3A_57 = arith.constant 0 : i32
      %dma_start3A_58 = tpu.memref_slice %arg10[%mul3A_2, %dma_start3A_57] : memref<10240x128xf32, #tpu.memory_space<vmem_shared>> -> memref<640x128xf32, #tpu.memory_space<vmem_shared>>
      tpu.enqueue_dma source(%dma_start3A_58 : memref<640x128xf32, #tpu.memory_space<vmem_shared>>) target(%dma_start3A_56 : memref<640x128xf32, #tpu.memory_space<hbm>>) target_semaphore(%run_scoped3A : memref<!tpu.dma_semaphore, #tpu.memory_space<semaphore_mem>>)
      %dma_wait3A = arith.constant 0 : i32
      %dma_wait3A_59 = tpu.memref_slice %arg6[%arg0, %mul3A_2, %dma_wait3A] : memref<2x10240x128xf32, #tpu.memory_space<hbm>> -> memref<1x640x128xf32, #tpu.memory_space<hbm>>
      %dma_wait3A_60 = tpu.memref_squeeze %dma_wait3A_59 : memref<1x640x128xf32, #tpu.memory_space<hbm>> -> memref<640x128xf32, #tpu.memory_space<hbm>>
      %dma_wait3A_61 = arith.constant 0 : i32
      %dma_wait3A_62 = tpu.memref_slice %arg10[%mul3A_2, %dma_wait3A_61] : memref<10240x128xf32, #tpu.memory_space<vmem_shared>> -> memref<640x128xf32, #tpu.memory_space<vmem_shared>>
      tpu.wait_dma2 semaphore(%run_scoped3A : memref<!tpu.dma_semaphore, #tpu.memory_space<semaphore_mem>>) src(%dma_wait3A_62 : memref<640x128xf32, #tpu.memory_space<vmem_shared>>) dst(%dma_wait3A_60 : memref<640x128xf32, #tpu.memory_space<hbm>>)
      tpu.yield
    }) : () -> ()
    return
  }
}

module attributes {stable_mosaic.version = 14 : i64} {
  func.func @_tc_mm_body(%arg0: i32, %arg1: memref<1000x128xf32, #tpu.memory_space<vmem>>, %arg2: memref<128x128xf32, #tpu.memory_space<vmem>>, %arg3: memref<1000x128xf32, #tpu.memory_space<vmem>>) attributes {dimension_semantics = [#tpu.dimension_semantics<arbitrary>], iteration_bounds = array<i64: 10>, scalar_prefetch = 0 : i64, scratch_operands = 0 : i64, tpu.core_type = #tpu.core_type<tc>, window_params = [{transform_indices = @transform_0, window_bounds = array<i64: 1000, 128>}, {pipeline_mode = #tpu.pipeline_mode<synchronous>, transform_indices = @transform_1, window_bounds = array<i64: 128, 128>}, {transform_indices = @transform_2, window_bounds = array<i64: 1000, 128>}]} {
    %get3A = arith.constant 0 : index
    %get3A_0 = arith.constant 0 : index
    %get3A_1 = vector.load %arg1[%get3A, %get3A_0] : memref<1000x128xf32, #tpu.memory_space<vmem>>, vector<1000x128xf32>
    %get3A_2 = arith.constant 0 : index
    %get3A_3 = arith.constant 0 : index
    %get3A_4 = vector.load %arg2[%get3A_2, %get3A_3] : memref<128x128xf32, #tpu.memory_space<vmem>>, vector<128x128xf32>
    %dot_general3A = arith.constant dense<0.000000e+00> : vector<1000x128xf32>
    %dot_general3A_5 = tpu.matmul %get3A_1, %get3A_4, %dot_general3A {dimension_numbers = #tpu.dot_dimension_numbers<[1], [0], [0], [1], [0, 0, 1, 1], [], []>, transpose_lhs_hint = false} : vector<1000x128xf32>, vector<128x128xf32>, vector<1000x128xf32> -> vector<1000x128xf32>
    %swap3A = arith.constant 0 : index
    %swap3A_6 = arith.constant 0 : index
    %swap3A_7 = vector.load %arg3[%swap3A, %swap3A_6] : memref<1000x128xf32, #tpu.memory_space<vmem>>, vector<1000x128xf32>
    tpu.vector_store %arg3[%swap3A, %swap3A_6], %dot_general3A_5 {strides = array<i32>} : memref<1000x128xf32, #tpu.memory_space<vmem>>, vector<1000x128xf32>,
    return
  }
  func.func @transform_0(%arg0: i32) -> (i32, i32) {
    %c0_i32 = arith.constant 0 : i32
    %c0_i32_0 = arith.constant 0 : i32
    return %arg0, %c0_i32 : i32, i32
  }
  func.func @transform_1(%arg0: i32) -> (i32, i32) {
    %c0_i32 = arith.constant 0 : i32
    %c0_i32_0 = arith.constant 0 : i32
    %c0_i32_1 = arith.constant 0 : i32
    return %c0_i32, %c0_i32_0 : i32, i32
  }
  func.func @transform_2(%arg0: i32) -> (i32, i32) {
    %c0_i32 = arith.constant 0 : i32
    %c0_i32_0 = arith.constant 0 : i32
    return %arg0, %c0_i32 : i32, i32
  }
}

module attributes {stable_mosaic.version = 14 : i64} {
  func.func @_tc_scale_body(%arg0: i32, %arg1: memref<1000x128xf32, #tpu.memory_space<vmem>>, %arg2: memref<2x1000x128xf32, #tpu.memory_space<vmem>>, %arg3: memref<1000x128xf32, #tpu.memory_space<vmem>>, %arg4: memref<1000x16xf32, #tpu.memory_space<vmem>>) attributes {dimension_semantics = [#tpu.dimension_semantics<arbitrary>], iteration_bounds = array<i64: 10>, scalar_prefetch = 0 : i64, scratch_operands = 0 : i64, tpu.core_type = #tpu.core_type<tc>, window_params = [{transform_indices = @transform_0, window_bounds = array<i64: 1000, 128>}, {transform_indices = @transform_1, window_bounds = array<i64: 2, 1000, 128>}, {transform_indices = @transform_2, window_bounds = array<i64: 1000, 128>}, {transform_indices = @transform_3, window_bounds = array<i64: 1000, 16>}]} {
    %get3A = arith.constant 0 : index
    %get3A_0 = arith.constant 0 : index
    %get3A_1 = arith.constant 0 : index
    %get3A_2 = vector.load %arg2[%get3A, %get3A_0, %get3A_1] : memref<2x1000x128xf32, #tpu.memory_space<vmem>>, vector<2x1000x128xf32>
    %reduce_sum3A = arith.constant dense<0.000000e+00> : vector<1000xf32>
    %reduce_sum3A_3 = vector.multi_reduction <add>, %get3A_2, %reduce_sum3A [0, 2] : vector<2x1000x128xf32> to vector<1000xf32>
    %mul3A = arith.constant 7.812500e-03 : f32
    %mul3A_4 = vector.broadcast %mul3A : f32 to vector<1000xf32>
    %mul3A_5 = arith.mulf %reduce_sum3A_3, %mul3A_4 : vector<1000xf32>
    %add3A = arith.constant 1.000000e+00 : f32
    %add3A_6 = vector.broadcast %add3A : f32 to vector<1000xf32>
    %add3A_7 = arith.addf %mul3A_5, %add3A_6 : vector<1000xf32>
    %rsqrt3A = math.rsqrt %add3A_7 : vector<1000xf32>
    %get3A_8 = arith.constant 0 : index
    %get3A_9 = arith.constant 0 : index
    %get3A_10 = vector.load %arg1[%get3A_8, %get3A_9] : memref<1000x128xf32, #tpu.memory_space<vmem>>, vector<1000x128xf32>
    %broadcast_in_dim3A = vector.shape_cast %rsqrt3A : vector<1000xf32> to vector<1000x1xf32>
    %mul3A_11 = vector.broadcast %broadcast_in_dim3A : vector<1000x1xf32> to vector<1000x128xf32>
    %mul3A_12 = arith.mulf %get3A_10, %mul3A_11 : vector<1000x128xf32>
    %swap3A = arith.constant 0 : index
    %swap3A_13 = arith.constant 0 : index
    %swap3A_14 = vector.load %arg3[%swap3A, %swap3A_13] : memref<1000x128xf32, #tpu.memory_space<vmem>>, vector<1000x128xf32>
    tpu.vector_store %arg3[%swap3A, %swap3A_13], %mul3A_12 {strides = array<i32>} : memref<1000x128xf32, #tpu.memory_space<vmem>>, vector<1000x128xf32>,
    %broadcast_in_dim3A_15 = vector.shape_cast %rsqrt3A : vector<1000xf32> to vector<1000x1xf32>
    %broadcast_in_dim3A_16 = vector.shape_cast %broadcast_in_dim3A_15 : vector<1000x1xf32> to vector<1000x1xf32>
    %broadcast_in_dim3A_17 = vector.broadcast %broadcast_in_dim3A_16 : vector<1000x1xf32> to vector<1000x16xf32>
    %swap3A_18 = arith.constant 0 : index
    %swap3A_19 = arith.constant 0 : index
    %swap3A_20 = vector.load %arg4[%swap3A_18, %swap3A_19] : memref<1000x16xf32, #tpu.memory_space<vmem>>, vector<1000x16xf32>
    tpu.vector_store %arg4[%swap3A_18, %swap3A_19], %broadcast_in_dim3A_17 {strides = array<i32>} : memref<1000x16xf32, #tpu.memory_space<vmem>>, vector<1000x16xf32>,
    return
  }
  func.func @transform_0(%arg0: i32) -> (i32, i32) {
    %c0_i32 = arith.constant 0 : i32
    %c0_i32_0 = arith.constant 0 : i32
    return %arg0, %c0_i32 : i32, i32
  }
  func.func @transform_1(%arg0: i32) -> (i32, i32, i32) {
    %c0_i32 = arith.constant 0 : i32
    %c0_i32_0 = arith.constant 0 : i32
    %c0_i32_1 = arith.constant 0 : i32
    return %c0_i32, %arg0, %c0_i32_0 : i32, i32, i32
  }
  func.func @transform_2(%arg0: i32) -> (i32, i32) {
    %c0_i32 = arith.constant 0 : i32
    %c0_i32_0 = arith.constant 0 : i32
    return %arg0, %c0_i32 : i32, i32
  }
  func.func @transform_3(%arg0: i32) -> (i32, i32) {
    %c0_i32 = arith.constant 0 : i32
    %c0_i32_0 = arith.constant 0 : i32
    return %arg0, %c0_i32 : i32, i32
  }
}

module attributes {stable_mosaic.version = 14 : i64} {
  func.func @_tc2_body(%arg0: i32, %arg1: memref<1000x128xf32, #tpu.memory_space<vmem>>, %arg2: memref<2x1000x128xf32, #tpu.memory_space<vmem>>, %arg3: memref<1000x16xf32, #tpu.memory_space<vmem>>, %arg4: memref<128x128xf32, #tpu.memory_space<vmem>>, %arg5: memref<1x128xf32, #tpu.memory_space<vmem>>, %arg6: memref<1000x128xf32, #tpu.memory_space<vmem>>) attributes {dimension_semantics = [#tpu.dimension_semantics<arbitrary>], iteration_bounds = array<i64: 10>, scalar_prefetch = 0 : i64, scratch_operands = 0 : i64, tpu.core_type = #tpu.core_type<tc>, window_params = [{transform_indices = @transform_0, window_bounds = array<i64: 1000, 128>}, {transform_indices = @transform_1, window_bounds = array<i64: 2, 1000, 128>}, {transform_indices = @transform_2, window_bounds = array<i64: 1000, 16>}, {pipeline_mode = #tpu.pipeline_mode<synchronous>, transform_indices = @transform_3, window_bounds = array<i64: 128, 128>}, {pipeline_mode = #tpu.pipeline_mode<synchronous>, transform_indices = @transform_4, window_bounds = array<i64: 1, 128>}, {transform_indices = @transform_5, window_bounds = array<i64: 1000, 128>}]} {
    %get3A = arith.constant 0 : index
    %get3A_0 = arith.constant 0 : index
    %get3A_1 = vector.load %arg3[%get3A, %get3A_0] : memref<1000x16xf32, #tpu.memory_space<vmem>>, vector<1000x16xf32>
    %reduce_sum3A = arith.constant dense<0.000000e+00> : vector<1000xf32>
    %reduce_sum3A_2 = vector.multi_reduction <add>, %get3A_1, %reduce_sum3A [1] : vector<1000x16xf32> to vector<1000xf32>
    %mul3A = arith.constant 6.250000e-02 : f32
    %mul3A_3 = vector.broadcast %mul3A : f32 to vector<1000xf32>
    %mul3A_4 = arith.mulf %reduce_sum3A_2, %mul3A_3 : vector<1000xf32>
    %get3A_5 = arith.constant 0 : index
    %get3A_6 = arith.constant 0 : index
    %get3A_7 = arith.constant 0 : index
    %get3A_8 = vector.load %arg2[%get3A_5, %get3A_6, %get3A_7] : memref<2x1000x128xf32, #tpu.memory_space<vmem>>, vector<1x1000x128xf32>
    %get3A_9 = vector.shape_cast %get3A_8 : vector<1x1000x128xf32> to vector<1000x128xf32>
    %get3A_10 = arith.constant 1 : index
    %get3A_11 = arith.constant 0 : index
    %get3A_12 = arith.constant 0 : index
    %get3A_13 = vector.load %arg2[%get3A_10, %get3A_11, %get3A_12] : memref<2x1000x128xf32, #tpu.memory_space<vmem>>, vector<1x1000x128xf32>
    %get3A_14 = vector.shape_cast %get3A_13 : vector<1x1000x128xf32> to vector<1000x128xf32>
    %add3A = arith.addf %get3A_9, %get3A_14 : vector<1000x128xf32>
    %get3A_15 = arith.constant 0 : index
    %get3A_16 = arith.constant 0 : index
    %get3A_17 = vector.load %arg1[%get3A_15, %get3A_16] : memref<1000x128xf32, #tpu.memory_space<vmem>>, vector<1000x128xf32>
    %add3A_18 = arith.addf %add3A, %get3A_17 : vector<1000x128xf32>
    %broadcast_in_dim3A = vector.shape_cast %mul3A_4 : vector<1000xf32> to vector<1000x1xf32>
    %mul3A_19 = vector.broadcast %broadcast_in_dim3A : vector<1000x1xf32> to vector<1000x128xf32>
    %mul3A_20 = arith.mulf %add3A_18, %mul3A_19 : vector<1000x128xf32>
    %get3A_21 = arith.constant 0 : index
    %get3A_22 = arith.constant 0 : index
    %get3A_23 = vector.load %arg5[%get3A_21, %get3A_22] : memref<1x128xf32, #tpu.memory_space<vmem>>, vector<1x128xf32>
    %add3A_24 = vector.broadcast %get3A_23 : vector<1x128xf32> to vector<1000x128xf32>
    %add3A_25 = arith.addf %mul3A_20, %add3A_24 : vector<1000x128xf32>
    %max3A = arith.constant 0.000000e+00 : f32
    %max3A_26 = vector.broadcast %max3A : f32 to vector<1000x128xf32>
    %max3A_27 = arith.maximumf %add3A_25, %max3A_26 : vector<1000x128xf32>
    %get3A_28 = arith.constant 0 : index
    %get3A_29 = arith.constant 0 : index
    %get3A_30 = vector.load %arg4[%get3A_28, %get3A_29] : memref<128x128xf32, #tpu.memory_space<vmem>>, vector<128x128xf32>
    %dot_general3A = arith.constant dense<0.000000e+00> : vector<1000x128xf32>
    %dot_general3A_31 = tpu.matmul %max3A_27, %get3A_30, %dot_general3A {dimension_numbers = #tpu.dot_dimension_numbers<[1], [0], [0], [1], [0, 0, 1, 1], [], []>, transpose_lhs_hint = false} : vector<1000x128xf32>, vector<128x128xf32>, vector<1000x128xf32> -> vector<1000x128xf32>
    %broadcast_in_dim3A_32 = vector.shape_cast %mul3A_4 : vector<1000xf32> to vector<1000x1xf32>
    %mul3A_33 = vector.broadcast %broadcast_in_dim3A_32 : vector<1000x1xf32> to vector<1000x128xf32>
    %mul3A_34 = arith.mulf %dot_general3A_31, %mul3A_33 : vector<1000x128xf32>
    %swap3A = arith.constant 0 : index
    %swap3A_35 = arith.constant 0 : index
    %swap3A_36 = vector.load %arg6[%swap3A, %swap3A_35] : memref<1000x128xf32, #tpu.memory_space<vmem>>, vector<1000x128xf32>
    tpu.vector_store %arg6[%swap3A, %swap3A_35], %mul3A_34 {strides = array<i32>} : memref<1000x128xf32, #tpu.memory_space<vmem>>, vector<1000x128xf32>,
    return
  }
  func.func @transform_0(%arg0: i32) -> (i32, i32) {
    %c0_i32 = arith.constant 0 : i32
    %c0_i32_0 = arith.constant 0 : i32
    return %arg0, %c0_i32 : i32, i32
  }
  func.func @transform_1(%arg0: i32) -> (i32, i32, i32) {
    %c0_i32 = arith.constant 0 : i32
    %c0_i32_0 = arith.constant 0 : i32
    %c0_i32_1 = arith.constant 0 : i32
    return %c0_i32, %arg0, %c0_i32_0 : i32, i32, i32
  }
  func.func @transform_2(%arg0: i32) -> (i32, i32) {
    %c0_i32 = arith.constant 0 : i32
    %c0_i32_0 = arith.constant 0 : i32
    return %arg0, %c0_i32 : i32, i32
  }
  func.func @transform_3(%arg0: i32) -> (i32, i32) {
    %c0_i32 = arith.constant 0 : i32
    %c0_i32_0 = arith.constant 0 : i32
    %c0_i32_1 = arith.constant 0 : i32
    return %c0_i32, %c0_i32_0 : i32, i32
  }
  func.func @transform_4(%arg0: i32) -> (i32, i32) {
    %c0_i32 = arith.constant 0 : i32
    %c0_i32_0 = arith.constant 0 : i32
    %c0_i32_1 = arith.constant 0 : i32
    return %c0_i32, %c0_i32_0 : i32, i32
  }
  func.func @transform_5(%arg0: i32) -> (i32, i32) {
    %c0_i32 = arith.constant 0 : i32
    %c0_i32_0 = arith.constant 0 : i32
    return %arg0, %c0_i32 : i32, i32
  }
}

module attributes {stable_mosaic.version = 14 : i64} {
  func.func @_tc3_body(%arg0: i32, %arg1: memref<1000x128xf32, #tpu.memory_space<vmem>>, %arg2: memref<2x1000x128xf32, #tpu.memory_space<vmem>>, %arg3: memref<1000x16xf32, #tpu.memory_space<vmem>>, %arg4: memref<1x128xf32, #tpu.memory_space<vmem>>, %arg5: memref<1000x128xf32, #tpu.memory_space<vmem>>) attributes {dimension_semantics = [#tpu.dimension_semantics<arbitrary>], iteration_bounds = array<i64: 10>, scalar_prefetch = 0 : i64, scratch_operands = 0 : i64, tpu.core_type = #tpu.core_type<tc>, window_params = [{transform_indices = @transform_0, window_bounds = array<i64: 1000, 128>}, {transform_indices = @transform_1, window_bounds = array<i64: 2, 1000, 128>}, {transform_indices = @transform_2, window_bounds = array<i64: 1000, 16>}, {pipeline_mode = #tpu.pipeline_mode<synchronous>, transform_indices = @transform_3, window_bounds = array<i64: 1, 128>}, {transform_indices = @transform_4, window_bounds = array<i64: 1000, 128>}]} {
    %get3A = arith.constant 0 : index
    %get3A_0 = arith.constant 0 : index
    %get3A_1 = vector.load %arg3[%get3A, %get3A_0] : memref<1000x16xf32, #tpu.memory_space<vmem>>, vector<1000x16xf32>
    %reduce_sum3A = arith.constant dense<0.000000e+00> : vector<1000xf32>
    %reduce_sum3A_2 = vector.multi_reduction <add>, %get3A_1, %reduce_sum3A [1] : vector<1000x16xf32> to vector<1000xf32>
    %mul3A = arith.constant 6.250000e-02 : f32
    %mul3A_3 = vector.broadcast %mul3A : f32 to vector<1000xf32>
    %mul3A_4 = arith.mulf %reduce_sum3A_2, %mul3A_3 : vector<1000xf32>
    %get3A_5 = arith.constant 0 : index
    %get3A_6 = arith.constant 0 : index
    %get3A_7 = arith.constant 0 : index
    %get3A_8 = vector.load %arg2[%get3A_5, %get3A_6, %get3A_7] : memref<2x1000x128xf32, #tpu.memory_space<vmem>>, vector<1x1000x128xf32>
    %get3A_9 = vector.shape_cast %get3A_8 : vector<1x1000x128xf32> to vector<1000x128xf32>
    %get3A_10 = arith.constant 1 : index
    %get3A_11 = arith.constant 0 : index
    %get3A_12 = arith.constant 0 : index
    %get3A_13 = vector.load %arg2[%get3A_10, %get3A_11, %get3A_12] : memref<2x1000x128xf32, #tpu.memory_space<vmem>>, vector<1x1000x128xf32>
    %get3A_14 = vector.shape_cast %get3A_13 : vector<1x1000x128xf32> to vector<1000x128xf32>
    %add3A = arith.addf %get3A_9, %get3A_14 : vector<1000x128xf32>
    %get3A_15 = arith.constant 0 : index
    %get3A_16 = arith.constant 0 : index
    %get3A_17 = vector.load %arg1[%get3A_15, %get3A_16] : memref<1000x128xf32, #tpu.memory_space<vmem>>, vector<1000x128xf32>
    %add3A_18 = arith.addf %add3A, %get3A_17 : vector<1000x128xf32>
    %broadcast_in_dim3A = vector.shape_cast %mul3A_4 : vector<1000xf32> to vector<1000x1xf32>
    %mul3A_19 = vector.broadcast %broadcast_in_dim3A : vector<1000x1xf32> to vector<1000x128xf32>
    %mul3A_20 = arith.mulf %add3A_18, %mul3A_19 : vector<1000x128xf32>
    %get3A_21 = arith.constant 0 : index
    %get3A_22 = arith.constant 0 : index
    %get3A_23 = vector.load %arg4[%get3A_21, %get3A_22] : memref<1x128xf32, #tpu.memory_space<vmem>>, vector<1x128xf32>
    %add3A_24 = vector.broadcast %get3A_23 : vector<1x128xf32> to vector<1000x128xf32>
    %add3A_25 = arith.addf %mul3A_20, %add3A_24 : vector<1000x128xf32>
    %max3A = arith.constant 0.000000e+00 : f32
    %max3A_26 = vector.broadcast %max3A : f32 to vector<1000x128xf32>
    %max3A_27 = arith.maximumf %add3A_25, %max3A_26 : vector<1000x128xf32>
    %swap3A = arith.constant 0 : index
    %swap3A_28 = arith.constant 0 : index
    %swap3A_29 = vector.load %arg5[%swap3A, %swap3A_28] : memref<1000x128xf32, #tpu.memory_space<vmem>>, vector<1000x128xf32>
    tpu.vector_store %arg5[%swap3A, %swap3A_28], %max3A_27 {strides = array<i32>} : memref<1000x128xf32, #tpu.memory_space<vmem>>, vector<1000x128xf32>,
    return
  }
  func.func @transform_0(%arg0: i32) -> (i32, i32) {
    %c0_i32 = arith.constant 0 : i32
    %c0_i32_0 = arith.constant 0 : i32
    return %arg0, %c0_i32 : i32, i32
  }
  func.func @transform_1(%arg0: i32) -> (i32, i32, i32) {
    %c0_i32 = arith.constant 0 : i32
    %c0_i32_0 = arith.constant 0 : i32
    %c0_i32_1 = arith.constant 0 : i32
    return %c0_i32, %arg0, %c0_i32_0 : i32, i32, i32
  }
  func.func @transform_2(%arg0: i32) -> (i32, i32) {
    %c0_i32 = arith.constant 0 : i32
    %c0_i32_0 = arith.constant 0 : i32
    return %arg0, %c0_i32 : i32, i32
  }
  func.func @transform_3(%arg0: i32) -> (i32, i32) {
    %c0_i32 = arith.constant 0 : i32
    %c0_i32_0 = arith.constant 0 : i32
    %c0_i32_1 = arith.constant 0 : i32
    return %c0_i32, %c0_i32_0 : i32, i32
  }
  func.func @transform_4(%arg0: i32) -> (i32, i32) {
    %c0_i32 = arith.constant 0 : i32
    %c0_i32_0 = arith.constant 0 : i32
    return %arg0, %c0_i32 : i32, i32
  }
}

</mosaic_0001>

<sc_bundles>
// kernel: kernel.12.cloned.1.call-start
scs
__scs_entry_jumppad:
0x0: {  	(pc) =	sbr.rel $0x88, $3  }
0x1: {  	(tag) =	ssettag $0x0;
	lr =	simm.s32 $0x1  }
0x2: {  	[smem:$0x3F9B] =	sst lr;
	_ =	strace $0xD0000000  }
0x3: {  	_ = 	snop  }
0x4: {  	_ = 	snop  }
0x5: {  	_ = 	snop  }
0x6: {  	_ = 	snop  }
0x7: {  	_ = 	snop  }
__scs_overlays_trampoline_lowered:
0x8: {  	[smem:$0x3FAA] =	sst s0  }
0x9: {  	[smem:$0x3FAB] =	sst s1  }
0xa: {  	[smem:$0x3FAC] =	sst s2  }
0xb: {  	[smem:$0x3FAD] =	sst s3  }
0xc: {  	[smem:$0x3FAE] =	sst s4  }
0xd: {  	[smem:$0x3FAF] =	sst s5  }
0xe: {  	[smem:$0x3FB0] =	sst s6  }
0xf: {  	[smem:$0x3FB1] =	sst s7  }
0x10: {  	[smem:$0x3FB2] =	sst s8  }
0x11: {  	[smem:$0x3FB3] =	sst s9;
	s0 =	simm.s32 @!p0 $0x0  }
0x12: {  	s1 =	sld [smem:$0x3F99];
	s0 =	simm.s32 @p0 $0x1  }
0x13: {  	[smem:$0x3FB4] =	sst s0;
	s0 =	simm.s32 @!p1 $0x0  }
0x14: {  	s2 =	sld [smem:$0x3F98];
	s0 =	simm.s32 @p1 $0x1  }
0x15: {  	[smem:$0x3FB5] =	sst s0;
	s0 =	simm.s32 @!p2 $0x0  }
0x16: {  	s3 =	sld [smem:$0x3FDB];
	s0 =	simm.s32 @p2 $0x1  }
0x17: {  	s4 =	simm.s32 $0x1BF5;
	[smem:$0x3FB7] =	sst s0  }
0x18: {  	s0 =	sld [smem:$0x3F9A];
	_ =	swait.ge [sflag:s4], $0x0  }
0x19: {  	s7 =	sld [smem:$0x3F9B]  }
0x1a: {  	s8 =	sadd.s32 $0xFFFFE003, lr  }
0x1b: {  	s9 =	sadd.s32 $0xFFFFFEF7, lr;
	s5 =	simm.s32 $0xFFFFFFFF;
	p2 =	slt.u32 s8, $0xFFFFF086  }
0x1c: {  	p1 =	slt.u32 s9, $0xF7A;
	s5 =	simm.s32 @!p2 $0x0  }
0x1d: {  	s5 =	simm.s32 @p1 $0x1;
	p0 =	seq.s32 s7, s2  }
0x1e: {  	s7 =	smul.u32 @!p0 $0xF7A, s2;
	p2 =	seq.s32 @!p0 s5, $0x0  }
0x1f: {  	s9 =	smul.u32 $0xF7A, s1;
	s8 =	simm.s32 @!p0 $0x1BF5;
	p2 =	por !p2, p0  }
0x20: {  	[sflag:s8] =	ssyncset.s32 @!p0 $0xFFFFF086;
	s6 =	sadd.s32 @!p0 s3, s7;
	s7 =	simm.s32 @!p0 $0x108  }
0x21: {  	s3 =	sadd.s32 s3, s9;
	s6 =	sadd.s32 @!p0 $0x88, s6;
	s7 =	simm.s32 @p2 $0x1082  }
0x22: {  	[simem:s7], [sflag:s8] =	dma.local @!p0 [hbm:s6], $0xF7A  }
0x23: {  	s9 =	sor.u32 $0xD0000000, s2;
	s6 =	simm.s32 $0x108;
	_ =	swait.ge @!p0 [sflag:s8], $0x0  }
0x24: {  	s3 =	sadd.s32 $0x88, s3;
	s6 =	simm.s32 @!p1 $0x1082;
	[sflag:s4] =	ssyncset.s32 $0xFFFFF086  }
0x25: {  	[simem:s6], [sflag:s4] =	dma.local [hbm:s3], $0xF7A  }
0x26: {  	[smem:$0x3F9B] =	sst s1;
	(tag) =	ssettag s2;
	_ =	strace s9  }
0x27: {  	s1 =	sld [smem:$0x3FAB]  }
0x28: {  	s2 =	sld [smem:$0x3FAC]  }
0x29: {  	s4 =	sld [smem:$0x3FAE]  }
0x2a: {  	p0 =	seq.s32 s5, $0x0;
	s5 =	sld [smem:$0x3FAF]  }
0x2b: {  	s6 =	sld [smem:$0x3FB0]  }
0x2c: {  	s7 =	sld [smem:$0x3FB1]  }
0x2d: {  	s3 =	simm.s32 $0x108;
	s8 =	sld [smem:$0x3FB2]  }
0x2e: {  	s3 =	simm.s32 @!p0 $0x1082;
	s9 =	sld [smem:$0x3FB3]  }
0x2f: {  	lr =	sadd.s32 s0, s3;
	s0 =	sld [smem:$0x3FAA]  }
0x30: {  	s3 =	sld [smem:$0x3FAD]  }
0x31: {  	[smem:$0x3FB6] =	sst s10  }
0x32: {  	s10 =	sld [smem:$0x3FB4];
	_ =	sdelay $0x3  }
0x33: {  	p0 =	seq.s32 s10, $0x1;
	s10 =	sld [smem:$0x3FB6];
	_ =	sdelay $0x3  }
0x34: {  	[smem:$0x3FB6] =	sst s10  }
0x35: {  	s10 =	sld [smem:$0x3FB5];
	_ =	sdelay $0x3  }
0x36: {  	p1 =	seq.s32 s10, $0x1;
	s10 =	sld [smem:$0x3FB6];
	_ =	sdelay $0x3  }
0x37: {  	[smem:$0x3FB6] =	sst s10  }
0x38: {  	s10 =	sld [smem:$0x3FB7]  }
0x39: {  	_ = 	snop;
	(pc) =	sbr.ind lr, $3  }
0x3a: {  	_ = 	snop  }
0x3b: {  	_ = 	snop  }
0x3c: {  	p2 =	seq.s32 s10, $0x1;
	s10 =	sld [smem:$0x3FB6]  }
0x3d: {  	_ =	shalt  }
0x3e: {  	_ =	shalt  }
0x3f: {  	_ =	shalt  }
0x40: {  	_ =	shalt  }
0x41: {  	_ =	shalt  }
0x42: {  	_ =	shalt  }
0x43: {  	_ =	shalt  }
0x44: {  	_ =	shalt  }
0x45: {  	_ =	shalt  }
0x46: {  	_ =	shalt  }
0x47: {  	_ =	shalt  }
0x48: {  	_ =	shalt  }
0x49: {  	_ =	shalt  }
0x4a: {  	_ =	shalt  }
0x4b: {  	_ =	shalt  }
0x4c: {  	_ =	shalt  }
0x4d: {  	_ =	shalt  }
0x4e: {  	_ =	shalt  }
0x4f: {  	_ =	shalt  }
0x50: {  	_ =	shalt  }
0x51: {  	_ =	shalt  }
0x52: {  	_ =	shalt  }
0x53: {  	_ =	shalt  }
0x54: {  	_ =	shalt  }
0x55: {  	_ =	shalt  }
0x56: {  	_ =	shalt  }
0x57: {  	_ =	shalt  }
0x58: {  	_ =	shalt  }
0x59: {  	_ =	shalt  }
0x5a: {  	_ =	shalt  }
0x5b: {  	_ =	shalt  }
0x5c: {  	_ =	shalt  }
0x5d: {  	_ =	shalt  }
0x5e: {  	_ =	shalt  }
0x5f: {  	_ =	shalt  }
0x60: {  	_ =	shalt  }
0x61: {  	_ =	shalt  }
0x62: {  	_ =	shalt  }
0x63: {  	_ =	shalt  }
0x64: {  	_ =	shalt  }
0x65: {  	_ =	shalt  }
0x66: {  	_ =	shalt  }
0x67: {  	_ =	shalt  }
0x68: {  	_ =	shalt  }
0x69: {  	_ =	shalt  }
0x6a: {  	_ =	shalt  }
0x6b: {  	_ =	shalt  }
0x6c: {  	_ =	shalt  }
0x6d: {  	_ =	shalt  }
0x6e: {  	_ =	shalt  }
0x6f: {  	_ =	shalt  }
0x70: {  	_ =	shalt  }
0x71: {  	_ =	shalt  }
0x72: {  	_ =	shalt  }
0x73: {  	_ =	shalt  }
0x74: {  	_ =	shalt  }
0x75: {  	_ =	shalt  }
0x76: {  	_ =	shalt  }
0x77: {  	_ =	shalt  }
0x78: {  	_ =	shalt  }
0x79: {  	_ =	shalt  }
0x7a: {  	_ =	shalt  }
0x7b: {  	_ =	shalt  }
0x7c: {  	_ =	shalt  }
0x7d: {  	_ =	shalt  }
0x7e: {  	_ =	shalt  }
0x7f: {  	_ =	shalt  }
0x80: {  	_ =	shalt  }
0x81: {  	_ =	shalt  }
0x82: {  	_ =	shalt  }
0x83: {  	_ =	shalt  }
0x84: {  	_ =	shalt  }
0x85: {  	_ =	shalt  }
0x86: {  	_ =	shalt  }
0x87: {  	_ =	shalt  }
.Lfunc_end0:
.L_simem_size_0:
called_computation.1_lowered:
.L_overlay_start_0:
0x88: {  	s2 =	sld [smem:$0x3FD9]  }
0x89: {  	s3 =	sld [smem:$0x3FFE];
	_ =	sdelay $0x1  }
0x8a: {  	s1 =	srdreg.scid  }
0x8b: {  	s0 =	sand.u32 $0x1, s1  }
0x8c: {  	s17 =	sshll.u32 s0, $0xA;
	s2 =	sadd.s32 s3, s2  }
0x8d: {  	s2 =	sadd.s32 s2, s17  }
0x8e: {  	[smem:$0x3FC2] =	sst s2  }
0x8f: {  	_ = 	snop  }
0x90: {  	s2 =	sld [smem:$0x3FD0];
	(tm) =	ssettm $0x1  }
0x91: {  	s18 =	sld [smem:$0x3FFB];
	_ =	sdelay $0x3  }
0x92: {  	_ =	strace s18  }
0x93: {  	s3 =	sld [smem:$0x3FFC];
	_ =	sdelay $0x3  }
0x94: {  	_ =	strace s3  }
0x95: {  	s3 =	sld [smem:$0x3FFD];
	_ =	sdelay $0x3  }
0x96: {  	_ =	strace s3  }
0x97: {  	_ =	strace $0x8FFFFFFF  }
0x98: {  	s19 =	sld [smem:$0x3FDB];
	_ =	sdelay $0x1  }
0x99: {  	s4 =	simm.s32 $_scs_section_size  }
0x9a: {  	s5 =	simm.s32 $_size__tile_overlayer_lowered;
	s6 =	simm.s32 $_tile_overlayer_lowered  }
0x9b: {  	s22 =	simm.s32 $0x1BFF;
	s21 =	sshll.u32 s6, $0x1;
	s3 =	sadd.s32 s4, s19  }
0x9c: {  	s7 =	simm.s32 $0x0;
	s20 =	sshll.u32 s5, $0x1;
	s5 =	sadd.s32 s21, s3  }
0x9d: {  	[timem:s7], [sflag:s22] =	dma.local [hbm:s5], s20  }
0x9e: {  	_ =	swait.ge [sflag:s22], s20  }
0x9f: {  	s4 =	ssub.s32 $0x0, s20;
	[sflag:s22] =	ssyncset.done $0x0  }
0xa0: {  	[sflag:s22] =	ssyncadd.s32 s4;
	_ =	sdelay $0x1  }
0xa1: {  	s23 =	simm.s32 $0x1B8B  }
0xa2: {  	_ =	swait.ge [sflag:s23], $0x1  }
0xa3: {  	[sflag:s23] =	ssyncset.done $0x0  }
0xa4: {  	s25 =	simm.s32 $0x1B8E;
	s24 =	sld [smem:$0x3FFE];
	[sflag:s23] =	ssyncadd.s32 $0xFFFFFFFF  }
0xa5: {  	s26 =	simm.s32 $execute0_lowered;
	[smem:$0x3FD2] =	sst s25  }
0xa6: {  	s5 =	sshll.u32 s26, $0x1;
	_ =	strace $0x80000049;
	[dreg:$0x1] =	wrdreg $0xFFFFFFFF  }
0xa7: {  	s28 =	simm.s32 $_size_execute0_lowered;
	s3 =	sadd.s32 s3, s5;
	[dreg:$0x0] =	wrdreg $0x0  }
0xa8: {  	s5 =	sshll.u32 s28, $0x1;
	[dreg:$0x2] =	wrdreg s3  }
0xa9: {  	[dreg:$0x3] =	wrdreg s5  }
0xaa: {  	[dreg:$0x4] =	wrdreg $0xC0  }
0xab: {  	_ =	task [dreg:s7], $0x5FFFF  }
0xac: {  	[dreg:$0x1] =	wrdreg $0xFFFFFFFF  }
0xad: {  	[dreg:$0x0] =	wrdreg $0x60  }
0xae: {  	[dreg:$0x2] =	wrdreg s2  }
0xaf: {  	[dreg:$0x3] =	wrdreg s24  }
0xb0: {  	[dreg:$0x4] =	wrdreg $0xA1800  }
0xb1: {  	[dreg:$0x5] =	wrdreg $0x9  }
0xb2: {  	_ =	task.clear_ibuf [dreg:s7], $0x6FFFF;
	_ =	strace $0x90000049  }
0xb3: {  	s29 =	simm.s32 $0x9;
	_ =	strace $0x8000004B  }
0xb4: {  	_ =	swait.ge [sflag:s29], $0x1  }
0xb5: {  	[sflag:s29] =	ssyncadd.s32 $0xFFFFFFFF  }
0xb6: {  	_ =	strace $0x9000004B  }
0xb7: {  	_ =	sfence  }
0xb8: {  	s30 =	sld [smem:$0x0];
	_ =	sdelay $0x2  }
0xb9: {  	s31 =	sshll.u32 s1, $0xD;
	s1 =	sshrl.u32 s1, $0x2  }
0xba: {  	s3 =	sand.u32 $0x4000, s31;
	s1 =	sadd.s32 s1, s30  }
0xbb: {  	s0 =	sor.u32 s3, s0;
	s1 =	sshll.u32 s1, $0x11  }
0xbc: {  	s0 =	sor.u32 s1, s0  }
0xbd: {  	s0 =	sadd.s32 $0x8F2B, s0  }
0xbe: {  	[sflag:s0] =	ssyncadd.remote.s32 $0x1  }
0xbf: {  	_ =	sfence.sel $0xFFFF  }
0xc0: {  	[dreg:$0x0] =	wrdreg $0xFFFFFFFF;
	(pc) =	sbr.abs _section_cstart, $3  }
0xc1: {  	[dreg:$0x1] =	wrdreg $0xFFFFFFFF  }
0xc2: {  	_ =	task.clear_ibuf [dreg:s7], $0x2FFFF;
	_ =	strace $0x9FFFFFFF  }
0xc3: {  	(tm) =	ssettm $0x7FFFFFFF  }
tec
execute0_lowered:
.L_overlay_start_1:
0x0: {  	(tag) =	ssettag $0x1  }
0x1: {  	s1 =	rddreg [dreg:$0x0]  }
0x2: {  	s0 =	srdreg.scid;
	s5 =	rddreg [dreg:$0x1]  }
0x3: {  	s15 =	stileid.u32;
	s3 =	rddreg [dreg:$0x2];
	s4 =	simm.s32 $0x0  }
0x4: {  	s16 =	simm.s32 $0x50;
	s17 =	simm.s32 $0x2980;
	s18 =	simm.s32 $0x2800  }
0x5: {  	s19 =	simm.s32 $0x5180;
	s20 =	simm.s32 $0x6;
	s21 =	simm.s32 $0x3  }
0x6: {  	s22 =	simm.s32 $0x2880;
	s28 =	simm.s32 $0x1;
	s6 =	smul.u32 $0x14000, s15  }
0x7: {  	s29 =	simm.s32 $0x0;
	s0 =	sand.u32 $0x1, s0;
	s24 =	smul.u32 $0x50000, s15  }
0x8: {  	s2 =	sshll.u32 s15, $0x1;
	[smem:$0x7FF] =	sst s4;
	s12 =	smul.u32 $0x4E20, s15  }
0x9: {  	s11 =	sadd.s32 $0xBE00, s5;
	s31 =	sshll.u32 s15, $0x6;
	s7 =	smul.u32 $0x140000, s0  }
0xa: {  	s2 =	sor.u32 s0, s2;
	s25 =	ssub.s32 $0x2, s0;
	s0 =	smul.u32 $0x2710, s0  }
0xb: {  	s15 =	simm.s32 $0x2780;
	_ =	strace $0x8000004A;
	s2 =	smul.u32 $0x2710, s2  }
0xc: {  	s9 =	sshrl.u32 s6, $0x3;
	s26 =	sshrl.u32 s25, $0x1;
	s6 =	sadd.s32 s6, s7  }
0xd: {  	s23 =	sadd.s32 s9, s5;
	s9 =	sshrl.u32 s24, $0x2;
	s13 =	ssub.s32 s25, s26  }
0xe: {  	s0 =	sadd.s32 s0, s12;
	s12 =	simm.s32 $0x7;
	s24 =	simm.s32 $0x5  }
0xf: {  	s25 =	simm.s32 $0x2;
	s26 =	simm.s32 $0x4;
	s2 =	sshrl.u32 s2, $0x3  }
0x10: {  	s6 =	sshrl.u32 s6, $0x3;
	s14 =	sadd.s32 s9, s3;
	s0 =	sadd.s32 $0xA0, s0  }
.Ltmp0:
0x11: {  	s8 =	sadd.s32 s2, s5;
	s10 =	sadd.s32 s6, s5;
	(pc) =	sbr.rel .LBB2_1-.Ltmp0, $4  }
0x12: {  	s6 =	sadd.s32 $0x15C00, s23;
	s7 =	sadd.s32 s11, s2;
	s0 =	sshrl.u32 s0, $0x3  }
0x13: {  	s14 =	sshrl.u32 s14, $0x3;
	s23 =	simm.s32 $0x7980;
	s30 =	sadd.s32 $0x2000, s8  }
0x14: {  	s8 =	sadd.s32 $0xA, s7;
	s9 =	sadd.s32 $0x3DC00, s10;
	s10 =	smax.u32 s13, $0x1  }
0x15: {  	s11 =	sadd.s32 s0, s11;
	s13 =	sor.u32 $0x1C07, s31;
	[dreg:$0x4] =	wrdreg s30  }
.LBB2_8:
0x16: {  	s29 =	sadd.s32 $0x1, s29  }
0x17: {  	p0 =	sne.s32 s29, s10  }
.Ltmp1:
0x18: {  	[bflag:$0x0] =	sbarrier.arrive $0xFFFF;
	(pc) =	sbr.rel @!p0 .LBB2_9-.Ltmp1, $4  }
0x19: {  	[hbm:s9], [sflag:s13] =	dma.local [spmem:s14], $0x2800  }
0x1a: {  	_ =	swait.ge [sflag:s12], $0x2800  }
0x1b: {  	[sflag:s12] =	ssyncset.done $0x0  }
0x1c: {  	[sflag:s12] =	ssyncadd.s32 $0xFFFFD800  }
.LBB2_1:
0x1d: {  	s0 =	rddreg [dreg:$0x4]  }
0x1e: {  	[tilespmem:s4], [sflag:$0x7] =	stream.linear.gather [hbm4b:s0+s4], $0x2710, $0x38;
	[tilespmem:$0x1E180] =	vst v63  }
0x1f: {  	_ =	swait.ge [sflag:s12], $0x2710  }
0x20: {  	[sflag:s12] =	ssyncset.done $0x0  }
0x21: {  	[sflag:s12] =	ssyncadd.s32 $0xFFFFD8F0  }
0x22: {  	[spmem:s14], [sflag:s13] =	dma.local [hbm:s6], $0x2800  }
0x23: {  	_ =	swait.ge [sflag:s12], $0x2800  }
0x24: {  	[sflag:s12] =	ssyncset.done $0x0  }
0x25: {  	[sflag:s12] =	ssyncadd.s32 $0xFFFFD800  }
0x26: {  	[bflag:$0x0] =	sbarrier.arrive $0xFFFF  }
0x27: {  	[tilespmem:s15], [sflag:$0x4] =	stream.linear.gather [hbm4b:s7+s4], $0x50, $0x38;
	[tilespmem:$0x1E180] =	vst v63  }
0x28: {  	_ = 	snop  }
0x29: {  	[tilespmem:s17], [sflag:$0x1] =	stream.indirect.gather [hbm4b:s1+s16], $0x80, s4, s16, $0xb8;
	[tilespmem:$0x1E180] =	vst v63  }
.Ltmp2:
0x2a: {  	_ = 	snop;
	(pc) =	sbr.rel .LBB2_2-.Ltmp2, $4  }
0x2b: {  	_ = 	snop  }
0x2c: {  	[tilespmem:s18], [sflag:$0x5] =	stream.linear.gather [hbm4b:s8+s4], $0x50, $0x38;
	[tilespmem:$0x1E180] =	vst v63  }
0x2d: {  	s30 =	simm.s32 $0xA0;
	s31 =	smov.u32 s11;
	s2 =	simm.s32 $0x0  }
0x2e: {  	[tilespmem:s19], [sflag:$0x2] =	stream.indirect.gather [hbm4b:s1+s16], $0x80, s16, s16, $0xb8;
	[tilespmem:$0x1E180] =	vst v63  }
.LBB2_6:
0x2f: {  	p0 =	sgt.u32 s2, $0x7A  }
0x30: {  	s0 =	simm.s32 @!p0 $0x0;
	s5 =	simm.s32 @!p0 $0x2800  }
0x31: {  	[tilespmem:s5], [sflag:$0x5] =	stream.linear.gather @!p0 [hbm4b:s31+s0], $0x50, $0x38;
	[tilespmem:$0x1E180] =	vst v63  }
0x32: {  	s0 =	simm.s32 @!p0 $0x50;
	s5 =	simm.s32 @!p0 $0x5180  }
0x33: {  	[tilespmem:s5], [sflag:$0x2] =	stream.indirect.gather @!p0 [hbm4b:s1+s0], $0x80, s30, s0, $0xb8;
	[tilespmem:$0x1E180] =	vst v63  }
0x34: {  	_ =	swait.ge [sflag:s20], $0x50  }
0x35: {  	[sflag:s20] =	ssyncset.done $0x0  }
0x36: {  	[sflag:s20] =	ssyncadd.s32 $0xFFFFFFB0  }
0x37: {  	_ =	swait.ge [sflag:s21], $0x2800  }
0x38: {  	[sflag:s21] =	ssyncset.done $0x0  }
0x39: {  	s0 =	simm.s32 $0x7;
	[sflag:s21] =	ssyncadd.s32 $0xFFFFD800  }
0x3a: {  	[spmem:s3] =	stream.indirect.scatter.add.f32 [tilespmem:s23], [sflag:$0x7], $0x80, s22, s16, $0xb8;
	[tilespmem:$0x1E180] =	vst v63  }
.LBB2_7:
0x3b: {  	s2 =	sadd.s32 $0x1, s2  }
0x3c: {  	p0 =	sne.s32 s2, $0x7D  }
.Ltmp3:
0x3d: {  	_ = 	snop;
	(pc) =	sbr.rel @!p0 .LBB2_8-.Ltmp3, $4  }
0x3e: {  	_ = 	snop  }
0x3f: {  	_ =	swait.ge [sflag:s0], $0x2800  }
0x40: {  	[sflag:s0] =	ssyncset.done $0x0  }
0x41: {  	s31 =	sadd.s32 $0xA, s31;
	s30 =	sadd.s32 $0x50, s30;
	[sflag:s0] =	ssyncadd.s32 $0xFFFFD800  }
.LBB2_2:
0x42: {  	s0 =	smul.u32 $0xAB, s2;
	_ =	sdelay $0x1  }
0x43: {  	s0 =	sshrl.u32 s0, $0x9  }
0x44: {  	s0 =	sand.u32 $0x7F, s0  }
0x45: {  	s0 =	smul.u32 $0x3, s0;
	_ =	sdelay $0x1  }
0x46: {  	s0 =	ssub.s32 s2, s0  }
0x47: {  	s0 =	sand.u32 $0xFF, s0  }
0x48: {  	p0 =	seq.s32 s0, $0x2  }
.Ltmp4:
0x49: {  	_ = 	snop;
	(pc) =	sbr.rel @p0 .LBB2_6-.Ltmp4, $1  }
0x4a: {  	_ =	sdelay $0x3  }
0x4b: {  	p0 =	seq.s32 s0, $0x1  }
.Ltmp5:
0x4c: {  	_ = 	snop;
	(pc) =	sbr.rel @!p0 .LBB2_4-.Ltmp5, $1  }
0x4d: {  	_ =	sdelay $0x3  }
0x4e: {  	p0 =	sgt.u32 s2, $0x7A  }
0x4f: {  	s0 =	simm.s32 @!p0 $0x0;
	s5 =	simm.s32 @!p0 $0x2780  }
0x50: {  	[tilespmem:s5], [sflag:$0x4] =	stream.linear.gather @!p0 [hbm4b:s31+s0], $0x50, $0x38;
	[tilespmem:$0x1E180] =	vst v63  }
0x51: {  	s0 =	simm.s32 @!p0 $0x50;
	s5 =	simm.s32 @!p0 $0x2980  }
0x52: {  	[tilespmem:s5], [sflag:$0x1] =	stream.indirect.gather @!p0 [hbm4b:s1+s0], $0x80, s30, s0, $0xb8;
	[tilespmem:$0x1E180] =	vst v63  }
0x53: {  	_ =	swait.ge [sflag:s24], $0x50  }
0x54: {  	[sflag:s24] =	ssyncset.done $0x0  }
.Ltmp6:
0x55: {  	[sflag:s24] =	ssyncadd.s32 $0xFFFFFFB0;
	(pc) =	sbr.rel .LBB2_7-.Ltmp6, $4  }
0x56: {  	_ =	swait.ge [sflag:s25], $0x2800  }
0x57: {  	[sflag:s25] =	ssyncset.done $0x0  }
0x58: {  	s0 =	simm.s32 $0x8;
	[sflag:s25] =	ssyncadd.s32 $0xFFFFD800  }
0x59: {  	[spmem:s3] =	stream.indirect.scatter.add.f32 [tilespmem:s19], [sflag:$0x8], $0x80, s18, s16, $0xb8;
	[tilespmem:$0x1E180] =	vst v63  }
.LBB2_4:
0x5a: {  	p0 =	sgt.u32 s2, $0x7A  }
0x5b: {  	s0 =	simm.s32 @!p0 $0x0;
	s5 =	simm.s32 @!p0 $0x2880  }
0x5c: {  	[tilespmem:s5], [sflag:$0x6] =	stream.linear.gather @!p0 [hbm4b:s31+s0], $0x50, $0x38;
	[tilespmem:$0x1E180] =	vst v63  }
0x5d: {  	s0 =	simm.s32 @!p0 $0x50;
	s5 =	simm.s32 @!p0 $0x7980  }
0x5e: {  	[tilespmem:s5], [sflag:$0x3] =	stream.indirect.gather @!p0 [hbm4b:s1+s0], $0x80, s30, s0, $0xb8;
	[tilespmem:$0x1E180] =	vst v63  }
0x5f: {  	_ =	swait.ge [sflag:s26], $0x50  }
0x60: {  	[sflag:s26] =	ssyncset.done $0x0  }
.Ltmp7:
0x61: {  	[sflag:s26] =	ssyncadd.s32 $0xFFFFFFB0;
	(pc) =	sbr.rel .LBB2_7-.Ltmp7, $4  }
0x62: {  	_ =	swait.ge [sflag:s28], $0x2800  }
0x63: {  	[sflag:s28] =	ssyncset.done $0x0  }
0x64: {  	s0 =	simm.s32 $0x8;
	[sflag:s28] =	ssyncadd.s32 $0xFFFFD800  }
0x65: {  	[spmem:s3] =	stream.indirect.scatter.add.f32 [tilespmem:s17], [sflag:$0x8], $0x80, s15, s16, $0xb8;
	[tilespmem:$0x1E180] =	vst v63  }
.LBB2_9:
0x66: {  	_ =	sfence.sel $0x180000  }
0x67: {  	[bflag:$0x0] =	sbarrier.arrive $0xFFFF  }
0x68: {  	_ =	strace $0x9000004A  }
0x69: {  	s0 =	stileid.u32;
	[bflag:$0x2] =	sbarrier.arrive $0xFFFF  }
0x6a: {  	p0 =	sne.s32 s0, $0x0;
	s0 =	rddreg [dreg:$0x3]  }
0x6b: {  	s0 =	sadd.s32 @!p0 $0x100000, s0  }
0x6c: {  	[sflag:s0] =	ssyncadd.tile.s32 @!p0 $0x1;
	_ =	shalt  }
.Lfunc_end2:
_tile_overlayer_lowered:
.L_overlay_start_2:
0x6d: {  	(tag) =	ssettag $0x2  }
0x6e: {  	s0 =	rddreg [dreg:$0x0];
	s2 =	stileid.u32  }
0x6f: {  	s1 =	rddreg [dreg:$0x1];
	p0 =	sne.s32 s2, $0x0  }
0x70: {  	s3 =	rddreg [dreg:$0x2];
	[bflag:$0x3] =	sbarrier.arrive $0xFFFF;
	s2 =	simm.s32 @!p0 $0x1C07  }
0x71: {  	[timem:s3], [sflag:s2] =	dma.local @!p0 [hbm:s0], s1  }
0x72: {  	s0 =	simm.s32 @!p0 $0x7  }
0x73: {  	_ =	swait.ge @!p0 [sflag:s0], s1  }
0x74: {  	s1 =	ssub.s32 @!p0 $0x0, s1;
	[sflag:s0] =	ssyncset.done @!p0 $0x0  }
0x75: {  	[sflag:s0] =	ssyncadd.s32 @!p0 s1  }
0x76: {  	[bflag:$0x3] =	sbarrier.arrive $0xFFFF  }
0x77: {  	_ =	shalt  }

// kernel: kernel.15.cloned.1.call-start
scs
__scs_entry_jumppad:
0x0: {  	(pc) =	sbr.rel $0x88, $3  }
0x1: {  	(tag) =	ssettag $0x0;
	lr =	simm.s32 $0x1  }
0x2: {  	[smem:$0x3F9B] =	sst lr;
	_ =	strace $0xD0000000  }
0x3: {  	_ = 	snop  }
0x4: {  	_ = 	snop  }
0x5: {  	_ = 	snop  }
0x6: {  	_ = 	snop  }
0x7: {  	_ = 	snop  }
__scs_overlays_trampoline_lowered:
0x8: {  	[smem:$0x3FAA] =	sst s0  }
0x9: {  	[smem:$0x3FAB] =	sst s1  }
0xa: {  	[smem:$0x3FAC] =	sst s2  }
0xb: {  	[smem:$0x3FAD] =	sst s3  }
0xc: {  	[smem:$0x3FAE] =	sst s4  }
0xd: {  	[smem:$0x3FAF] =	sst s5  }
0xe: {  	[smem:$0x3FB0] =	sst s6  }
0xf: {  	[smem:$0x3FB1] =	sst s7  }
0x10: {  	[smem:$0x3FB2] =	sst s8  }
0x11: {  	[smem:$0x3FB3] =	sst s9;
	s0 =	simm.s32 @!p0 $0x0  }
0x12: {  	s1 =	sld [smem:$0x3F99];
	s0 =	simm.s32 @p0 $0x1  }
0x13: {  	[smem:$0x3FB4] =	sst s0;
	s0 =	simm.s32 @!p1 $0x0  }
0x14: {  	s2 =	sld [smem:$0x3F98];
	s0 =	simm.s32 @p1 $0x1  }
0x15: {  	[smem:$0x3FB5] =	sst s0;
	s0 =	simm.s32 @!p2 $0x0  }
0x16: {  	s3 =	sld [smem:$0x3FDB];
	s0 =	simm.s32 @p2 $0x1  }
0x17: {  	s4 =	simm.s32 $0x1BF5;
	[smem:$0x3FB7] =	sst s0  }
0x18: {  	s0 =	sld [smem:$0x3F9A];
	_ =	swait.ge [sflag:s4], $0x0  }
0x19: {  	s7 =	sld [smem:$0x3F9B]  }
0x1a: {  	s8 =	sadd.s32 $0xFFFFE003, lr  }
0x1b: {  	s9 =	sadd.s32 $0xFFFFFEF7, lr;
	s5 =	simm.s32 $0xFFFFFFFF;
	p2 =	slt.u32 s8, $0xFFFFF086  }
0x1c: {  	p1 =	slt.u32 s9, $0xF7A;
	s5 =	simm.s32 @!p2 $0x0  }
0x1d: {  	s5 =	simm.s32 @p1 $0x1;
	p0 =	seq.s32 s7, s2  }
0x1e: {  	s7 =	smul.u32 @!p0 $0xF7A, s2;
	p2 =	seq.s32 @!p0 s5, $0x0  }
0x1f: {  	s9 =	smul.u32 $0xF7A, s1;
	s8 =	simm.s32 @!p0 $0x1BF5;
	p2 =	por !p2, p0  }
0x20: {  	[sflag:s8] =	ssyncset.s32 @!p0 $0xFFFFF086;
	s6 =	sadd.s32 @!p0 s3, s7;
	s7 =	simm.s32 @!p0 $0x108  }
0x21: {  	s3 =	sadd.s32 s3, s9;
	s6 =	sadd.s32 @!p0 $0x88, s6;
	s7 =	simm.s32 @p2 $0x1082  }
0x22: {  	[simem:s7], [sflag:s8] =	dma.local @!p0 [hbm:s6], $0xF7A  }
0x23: {  	s9 =	sor.u32 $0xD0000000, s2;
	s6 =	simm.s32 $0x108;
	_ =	swait.ge @!p0 [sflag:s8], $0x0  }
0x24: {  	s3 =	sadd.s32 $0x88, s3;
	s6 =	simm.s32 @!p1 $0x1082;
	[sflag:s4] =	ssyncset.s32 $0xFFFFF086  }
0x25: {  	[simem:s6], [sflag:s4] =	dma.local [hbm:s3], $0xF7A  }
0x26: {  	[smem:$0x3F9B] =	sst s1;
	(tag) =	ssettag s2;
	_ =	strace s9  }
0x27: {  	s1 =	sld [smem:$0x3FAB]  }
0x28: {  	s2 =	sld [smem:$0x3FAC]  }
0x29: {  	s4 =	sld [smem:$0x3FAE]  }
0x2a: {  	p0 =	seq.s32 s5, $0x0;
	s5 =	sld [smem:$0x3FAF]  }
0x2b: {  	s6 =	sld [smem:$0x3FB0]  }
0x2c: {  	s7 =	sld [smem:$0x3FB1]  }
0x2d: {  	s3 =	simm.s32 $0x108;
	s8 =	sld [smem:$0x3FB2]  }
0x2e: {  	s3 =	simm.s32 @!p0 $0x1082;
	s9 =	sld [smem:$0x3FB3]  }
0x2f: {  	lr =	sadd.s32 s0, s3;
	s0 =	sld [smem:$0x3FAA]  }
0x30: {  	s3 =	sld [smem:$0x3FAD]  }
0x31: {  	[smem:$0x3FB6] =	sst s10  }
0x32: {  	s10 =	sld [smem:$0x3FB4];
	_ =	sdelay $0x3  }
0x33: {  	p0 =	seq.s32 s10, $0x1;
	s10 =	sld [smem:$0x3FB6];
	_ =	sdelay $0x3  }
0x34: {  	[smem:$0x3FB6] =	sst s10  }
0x35: {  	s10 =	sld [smem:$0x3FB5];
	_ =	sdelay $0x3  }
0x36: {  	p1 =	seq.s32 s10, $0x1;
	s10 =	sld [smem:$0x3FB6];
	_ =	sdelay $0x3  }
0x37: {  	[smem:$0x3FB6] =	sst s10  }
0x38: {  	s10 =	sld [smem:$0x3FB7]  }
0x39: {  	_ = 	snop;
	(pc) =	sbr.ind lr, $3  }
0x3a: {  	_ = 	snop  }
0x3b: {  	_ = 	snop  }
0x3c: {  	p2 =	seq.s32 s10, $0x1;
	s10 =	sld [smem:$0x3FB6]  }
0x3d: {  	_ =	shalt  }
0x3e: {  	_ =	shalt  }
0x3f: {  	_ =	shalt  }
0x40: {  	_ =	shalt  }
0x41: {  	_ =	shalt  }
0x42: {  	_ =	shalt  }
0x43: {  	_ =	shalt  }
0x44: {  	_ =	shalt  }
0x45: {  	_ =	shalt  }
0x46: {  	_ =	shalt  }
0x47: {  	_ =	shalt  }
0x48: {  	_ =	shalt  }
0x49: {  	_ =	shalt  }
0x4a: {  	_ =	shalt  }
0x4b: {  	_ =	shalt  }
0x4c: {  	_ =	shalt  }
0x4d: {  	_ =	shalt  }
0x4e: {  	_ =	shalt  }
0x4f: {  	_ =	shalt  }
0x50: {  	_ =	shalt  }
0x51: {  	_ =	shalt  }
0x52: {  	_ =	shalt  }
0x53: {  	_ =	shalt  }
0x54: {  	_ =	shalt  }
0x55: {  	_ =	shalt  }
0x56: {  	_ =	shalt  }
0x57: {  	_ =	shalt  }
0x58: {  	_ =	shalt  }
0x59: {  	_ =	shalt  }
0x5a: {  	_ =	shalt  }
0x5b: {  	_ =	shalt  }
0x5c: {  	_ =	shalt  }
0x5d: {  	_ =	shalt  }
0x5e: {  	_ =	shalt  }
0x5f: {  	_ =	shalt  }
0x60: {  	_ =	shalt  }
0x61: {  	_ =	shalt  }
0x62: {  	_ =	shalt  }
0x63: {  	_ =	shalt  }
0x64: {  	_ =	shalt  }
0x65: {  	_ =	shalt  }
0x66: {  	_ =	shalt  }
0x67: {  	_ =	shalt  }
0x68: {  	_ =	shalt  }
0x69: {  	_ =	shalt  }
0x6a: {  	_ =	shalt  }
0x6b: {  	_ =	shalt  }
0x6c: {  	_ =	shalt  }
0x6d: {  	_ =	shalt  }
0x6e: {  	_ =	shalt  }
0x6f: {  	_ =	shalt  }
0x70: {  	_ =	shalt  }
0x71: {  	_ =	shalt  }
0x72: {  	_ =	shalt  }
0x73: {  	_ =	shalt  }
0x74: {  	_ =	shalt  }
0x75: {  	_ =	shalt  }
0x76: {  	_ =	shalt  }
0x77: {  	_ =	shalt  }
0x78: {  	_ =	shalt  }
0x79: {  	_ =	shalt  }
0x7a: {  	_ =	shalt  }
0x7b: {  	_ =	shalt  }
0x7c: {  	_ =	shalt  }
0x7d: {  	_ =	shalt  }
0x7e: {  	_ =	shalt  }
0x7f: {  	_ =	shalt  }
0x80: {  	_ =	shalt  }
0x81: {  	_ =	shalt  }
0x82: {  	_ =	shalt  }
0x83: {  	_ =	shalt  }
0x84: {  	_ =	shalt  }
0x85: {  	_ =	shalt  }
0x86: {  	_ =	shalt  }
0x87: {  	_ =	shalt  }
.Lfunc_end0:
.L_simem_size_0:
called_computation.2_lowered:
.L_overlay_start_0:
0x88: {  	s2 =	sld [smem:$0x3FD9]  }
0x89: {  	s3 =	sld [smem:$0x3FFE];
	_ =	sdelay $0x1  }
0x8a: {  	s1 =	srdreg.scid  }
0x8b: {  	s0 =	sand.u32 $0x1, s1  }
0x8c: {  	s17 =	sshll.u32 s0, $0xA;
	s2 =	sadd.s32 s3, s2  }
0x8d: {  	s2 =	sadd.s32 s2, s17  }
0x8e: {  	[smem:$0x3FC2] =	sst s2  }
0x8f: {  	_ = 	snop  }
0x90: {  	s2 =	sld [smem:$0x3FD0];
	(tm) =	ssettm $0x1  }
0x91: {  	s18 =	sld [smem:$0x3FFB];
	_ =	sdelay $0x3  }
0x92: {  	_ =	strace s18  }
0x93: {  	s3 =	sld [smem:$0x3FFC];
	_ =	sdelay $0x3  }
0x94: {  	_ =	strace s3  }
0x95: {  	s3 =	sld [smem:$0x3FFD];
	_ =	sdelay $0x3  }
0x96: {  	_ =	strace s3  }
0x97: {  	_ =	strace $0x8FFFFFFF  }
0x98: {  	s19 =	sld [smem:$0x3FDB];
	_ =	sdelay $0x1  }
0x99: {  	s4 =	simm.s32 $_scs_section_size  }
0x9a: {  	s5 =	simm.s32 $_size__tile_overlayer_lowered;
	s6 =	simm.s32 $_tile_overlayer_lowered  }
0x9b: {  	s22 =	simm.s32 $0x1BFF;
	s21 =	sshll.u32 s6, $0x1;
	s3 =	sadd.s32 s4, s19  }
0x9c: {  	s7 =	simm.s32 $0x0;
	s20 =	sshll.u32 s5, $0x1;
	s5 =	sadd.s32 s21, s3  }
0x9d: {  	[timem:s7], [sflag:s22] =	dma.local [hbm:s5], s20  }
0x9e: {  	_ =	swait.ge [sflag:s22], s20  }
0x9f: {  	s4 =	ssub.s32 $0x0, s20;
	[sflag:s22] =	ssyncset.done $0x0  }
0xa0: {  	[sflag:s22] =	ssyncadd.s32 s4;
	_ =	sdelay $0x1  }
0xa1: {  	s23 =	simm.s32 $0x1B8B  }
0xa2: {  	_ =	swait.ge [sflag:s23], $0x1  }
0xa3: {  	[sflag:s23] =	ssyncset.done $0x0  }
0xa4: {  	s25 =	simm.s32 $0x1B8E;
	s24 =	sld [smem:$0x3FFE];
	[sflag:s23] =	ssyncadd.s32 $0xFFFFFFFF  }
0xa5: {  	s26 =	simm.s32 $execute0_lowered;
	[smem:$0x3FD2] =	sst s25  }
0xa6: {  	s5 =	sshll.u32 s26, $0x1;
	_ =	strace $0x8000004C;
	[dreg:$0x1] =	wrdreg $0xFFFFFFFF  }
0xa7: {  	s28 =	simm.s32 $_size_execute0_lowered;
	s3 =	sadd.s32 s3, s5;
	[dreg:$0x0] =	wrdreg $0x0  }
0xa8: {  	s5 =	sshll.u32 s28, $0x1;
	[dreg:$0x2] =	wrdreg s3  }
0xa9: {  	[dreg:$0x3] =	wrdreg s5  }
0xaa: {  	[dreg:$0x4] =	wrdreg $0xC0  }
0xab: {  	_ =	task [dreg:s7], $0x5FFFF  }
0xac: {  	[dreg:$0x1] =	wrdreg $0xFFFFFFFF  }
0xad: {  	[dreg:$0x0] =	wrdreg $0x60  }
0xae: {  	[dreg:$0x2] =	wrdreg s2  }
0xaf: {  	[dreg:$0x3] =	wrdreg s24  }
0xb0: {  	[dreg:$0x4] =	wrdreg $0xA1800  }
0xb1: {  	[dreg:$0x5] =	wrdreg $0x9  }
0xb2: {  	_ =	task.clear_ibuf [dreg:s7], $0x6FFFF;
	_ =	strace $0x9000004C  }
0xb3: {  	s29 =	simm.s32 $0x9;
	_ =	strace $0x8000004E  }
0xb4: {  	_ =	swait.ge [sflag:s29], $0x1  }
0xb5: {  	[sflag:s29] =	ssyncadd.s32 $0xFFFFFFFF  }
0xb6: {  	_ =	strace $0x9000004E  }
0xb7: {  	_ =	sfence  }
0xb8: {  	s30 =	sld [smem:$0x0];
	_ =	sdelay $0x2  }
0xb9: {  	s31 =	sshll.u32 s1, $0xD;
	s1 =	sshrl.u32 s1, $0x2  }
0xba: {  	s3 =	sand.u32 $0x4000, s31;
	s1 =	sadd.s32 s1, s30  }
0xbb: {  	s0 =	sor.u32 s3, s0;
	s1 =	sshll.u32 s1, $0x11  }
0xbc: {  	s0 =	sor.u32 s1, s0  }
0xbd: {  	s0 =	sadd.s32 $0x8F2B, s0  }
0xbe: {  	[sflag:s0] =	ssyncadd.remote.s32 $0x1  }
0xbf: {  	_ =	sfence.sel $0xFFFF  }
0xc0: {  	[dreg:$0x0] =	wrdreg $0xFFFFFFFF;
	(pc) =	sbr.abs _section_cstart, $3  }
0xc1: {  	[dreg:$0x1] =	wrdreg $0xFFFFFFFF  }
0xc2: {  	_ =	task.clear_ibuf [dreg:s7], $0x2FFFF;
	_ =	strace $0x9FFFFFFF  }
0xc3: {  	(tm) =	ssettm $0x7FFFFFFF  }
tec
execute0_lowered:
.L_overlay_start_1:
0x0: {  	(tag) =	ssettag $0x1  }
0x1: {  	s1 =	rddreg [dreg:$0x0]  }
0x2: {  	s0 =	srdreg.scid;
	s5 =	rddreg [dreg:$0x1]  }
0x3: {  	s15 =	stileid.u32;
	s3 =	rddreg [dreg:$0x2];
	s4 =	simm.s32 $0x0  }
0x4: {  	s16 =	simm.s32 $0x50;
	s17 =	simm.s32 $0x2980;
	s18 =	simm.s32 $0x2800  }
0x5: {  	s19 =	simm.s32 $0x5180;
	s20 =	simm.s32 $0x6;
	s21 =	simm.s32 $0x3  }
0x6: {  	s22 =	simm.s32 $0x2880;
	s28 =	simm.s32 $0x1;
	s6 =	smul.u32 $0x14000, s15  }
0x7: {  	s29 =	simm.s32 $0x0;
	s0 =	sand.u32 $0x1, s0;
	s24 =	smul.u32 $0x50000, s15  }
0x8: {  	s2 =	sshll.u32 s15, $0x1;
	[smem:$0x7FF] =	sst s4;
	s12 =	smul.u32 $0x4E20, s15  }
0x9: {  	s11 =	sadd.s32 $0xBE00, s5;
	s31 =	sshll.u32 s15, $0x6;
	s7 =	smul.u32 $0x140000, s0  }
0xa: {  	s2 =	sor.u32 s0, s2;
	s25 =	ssub.s32 $0x2, s0;
	s0 =	smul.u32 $0x2710, s0  }
0xb: {  	s15 =	simm.s32 $0x2780;
	_ =	strace $0x8000004D;
	s2 =	smul.u32 $0x2710, s2  }
0xc: {  	s9 =	sshrl.u32 s6, $0x3;
	s26 =	sshrl.u32 s25, $0x1;
	s6 =	sadd.s32 s6, s7  }
0xd: {  	s23 =	sadd.s32 s9, s5;
	s9 =	sshrl.u32 s24, $0x2;
	s13 =	ssub.s32 s25, s26  }
0xe: {  	s0 =	sadd.s32 s0, s12;
	s12 =	simm.s32 $0x7;
	s24 =	simm.s32 $0x5  }
0xf: {  	s25 =	simm.s32 $0x2;
	s26 =	simm.s32 $0x4;
	s2 =	sshrl.u32 s2, $0x3  }
0x10: {  	s6 =	sshrl.u32 s6, $0x3;
	s14 =	sadd.s32 s9, s3;
	s0 =	sadd.s32 $0xA0, s0  }
.Ltmp0:
0x11: {  	s8 =	sadd.s32 s2, s5;
	s10 =	sadd.s32 s6, s5;
	(pc) =	sbr.rel .LBB2_1-.Ltmp0, $4  }
0x12: {  	s6 =	sadd.s32 $0x15C00, s23;
	s7 =	sadd.s32 s11, s2;
	s0 =	sshrl.u32 s0, $0x3  }
0x13: {  	s14 =	sshrl.u32 s14, $0x3;
	s23 =	simm.s32 $0x7980;
	s30 =	sadd.s32 $0x2000, s8  }
0x14: {  	s8 =	sadd.s32 $0xA, s7;
	s9 =	sadd.s32 $0x3DC00, s10;
	s10 =	smax.u32 s13, $0x1  }
0x15: {  	s11 =	sadd.s32 s0, s11;
	s13 =	sor.u32 $0x1C07, s31;
	[dreg:$0x4] =	wrdreg s30  }
.LBB2_8:
0x16: {  	s29 =	sadd.s32 $0x1, s29  }
0x17: {  	p0 =	sne.s32 s29, s10  }
.Ltmp1:
0x18: {  	[bflag:$0x0] =	sbarrier.arrive $0xFFFF;
	(pc) =	sbr.rel @!p0 .LBB2_9-.Ltmp1, $4  }
0x19: {  	[hbm:s9], [sflag:s13] =	dma.local [spmem:s14], $0x2800  }
0x1a: {  	_ =	swait.ge [sflag:s12], $0x2800  }
0x1b: {  	[sflag:s12] =	ssyncset.done $0x0  }
0x1c: {  	[sflag:s12] =	ssyncadd.s32 $0xFFFFD800  }
.LBB2_1:
0x1d: {  	s0 =	rddreg [dreg:$0x4]  }
0x1e: {  	[tilespmem:s4], [sflag:$0x7] =	stream.linear.gather [hbm4b:s0+s4], $0x2710, $0x38;
	[tilespmem:$0x1E180] =	vst v63  }
0x1f: {  	_ =	swait.ge [sflag:s12], $0x2710  }
0x20: {  	[sflag:s12] =	ssyncset.done $0x0  }
0x21: {  	[sflag:s12] =	ssyncadd.s32 $0xFFFFD8F0  }
0x22: {  	[spmem:s14], [sflag:s13] =	dma.local [hbm:s6], $0x2800  }
0x23: {  	_ =	swait.ge [sflag:s12], $0x2800  }
0x24: {  	[sflag:s12] =	ssyncset.done $0x0  }
0x25: {  	[sflag:s12] =	ssyncadd.s32 $0xFFFFD800  }
0x26: {  	[bflag:$0x0] =	sbarrier.arrive $0xFFFF  }
0x27: {  	[tilespmem:s15], [sflag:$0x4] =	stream.linear.gather [hbm4b:s7+s4], $0x50, $0x38;
	[tilespmem:$0x1E180] =	vst v63  }
0x28: {  	_ = 	snop  }
0x29: {  	[tilespmem:s17], [sflag:$0x1] =	stream.indirect.gather [hbm4b:s1+s16], $0x80, s4, s16, $0xb8;
	[tilespmem:$0x1E180] =	vst v63  }
.Ltmp2:
0x2a: {  	_ = 	snop;
	(pc) =	sbr.rel .LBB2_2-.Ltmp2, $4  }
0x2b: {  	_ = 	snop  }
0x2c: {  	[tilespmem:s18], [sflag:$0x5] =	stream.linear.gather [hbm4b:s8+s4], $0x50, $0x38;
	[tilespmem:$0x1E180] =	vst v63  }
0x2d: {  	s30 =	simm.s32 $0xA0;
	s31 =	smov.u32 s11;
	s2 =	simm.s32 $0x0  }
0x2e: {  	[tilespmem:s19], [sflag:$0x2] =	stream.indirect.gather [hbm4b:s1+s16], $0x80, s16, s16, $0xb8;
	[tilespmem:$0x1E180] =	vst v63  }
.LBB2_6:
0x2f: {  	p0 =	sgt.u32 s2, $0x7A  }
0x30: {  	s0 =	simm.s32 @!p0 $0x0;
	s5 =	simm.s32 @!p0 $0x2800  }
0x31: {  	[tilespmem:s5], [sflag:$0x5] =	stream.linear.gather @!p0 [hbm4b:s31+s0], $0x50, $0x38;
	[tilespmem:$0x1E180] =	vst v63  }
0x32: {  	s0 =	simm.s32 @!p0 $0x50;
	s5 =	simm.s32 @!p0 $0x5180  }
0x33: {  	[tilespmem:s5], [sflag:$0x2] =	stream.indirect.gather @!p0 [hbm4b:s1+s0], $0x80, s30, s0, $0xb8;
	[tilespmem:$0x1E180] =	vst v63  }
0x34: {  	_ =	swait.ge [sflag:s20], $0x50  }
0x35: {  	[sflag:s20] =	ssyncset.done $0x0  }
0x36: {  	[sflag:s20] =	ssyncadd.s32 $0xFFFFFFB0  }
0x37: {  	_ =	swait.ge [sflag:s21], $0x2800  }
0x38: {  	[sflag:s21] =	ssyncset.done $0x0  }
0x39: {  	s0 =	simm.s32 $0x7;
	[sflag:s21] =	ssyncadd.s32 $0xFFFFD800  }
0x3a: {  	[spmem:s3] =	stream.indirect.scatter.add.f32 [tilespmem:s23], [sflag:$0x7], $0x80, s22, s16, $0xb8;
	[tilespmem:$0x1E180] =	vst v63  }
.LBB2_7:
0x3b: {  	s2 =	sadd.s32 $0x1, s2  }
0x3c: {  	p0 =	sne.s32 s2, $0x7D  }
.Ltmp3:
0x3d: {  	_ = 	snop;
	(pc) =	sbr.rel @!p0 .LBB2_8-.Ltmp3, $4  }
0x3e: {  	_ = 	snop  }
0x3f: {  	_ =	swait.ge [sflag:s0], $0x2800  }
0x40: {  	[sflag:s0] =	ssyncset.done $0x0  }
0x41: {  	s31 =	sadd.s32 $0xA, s31;
	s30 =	sadd.s32 $0x50, s30;
	[sflag:s0] =	ssyncadd.s32 $0xFFFFD800  }
.LBB2_2:
0x42: {  	s0 =	smul.u32 $0xAB, s2;
	_ =	sdelay $0x1  }
0x43: {  	s0 =	sshrl.u32 s0, $0x9  }
0x44: {  	s0 =	sand.u32 $0x7F, s0  }
0x45: {  	s0 =	smul.u32 $0x3, s0;
	_ =	sdelay $0x1  }
0x46: {  	s0 =	ssub.s32 s2, s0  }
0x47: {  	s0 =	sand.u32 $0xFF, s0  }
0x48: {  	p0 =	seq.s32 s0, $0x2  }
.Ltmp4:
0x49: {  	_ = 	snop;
	(pc) =	sbr.rel @p0 .LBB2_6-.Ltmp4, $1  }
0x4a: {  	_ =	sdelay $0x3  }
0x4b: {  	p0 =	seq.s32 s0, $0x1  }
.Ltmp5:
0x4c: {  	_ = 	snop;
	(pc) =	sbr.rel @!p0 .LBB2_4-.Ltmp5, $1  }
0x4d: {  	_ =	sdelay $0x3  }
0x4e: {  	p0 =	sgt.u32 s2, $0x7A  }
0x4f: {  	s0 =	simm.s32 @!p0 $0x0;
	s5 =	simm.s32 @!p0 $0x2780  }
0x50: {  	[tilespmem:s5], [sflag:$0x4] =	stream.linear.gather @!p0 [hbm4b:s31+s0], $0x50, $0x38;
	[tilespmem:$0x1E180] =	vst v63  }
0x51: {  	s0 =	simm.s32 @!p0 $0x50;
	s5 =	simm.s32 @!p0 $0x2980  }
0x52: {  	[tilespmem:s5], [sflag:$0x1] =	stream.indirect.gather @!p0 [hbm4b:s1+s0], $0x80, s30, s0, $0xb8;
	[tilespmem:$0x1E180] =	vst v63  }
0x53: {  	_ =	swait.ge [sflag:s24], $0x50  }
0x54: {  	[sflag:s24] =	ssyncset.done $0x0  }
.Ltmp6:
0x55: {  	[sflag:s24] =	ssyncadd.s32 $0xFFFFFFB0;
	(pc) =	sbr.rel .LBB2_7-.Ltmp6, $4  }
0x56: {  	_ =	swait.ge [sflag:s25], $0x2800  }
0x57: {  	[sflag:s25] =	ssyncset.done $0x0  }
0x58: {  	s0 =	simm.s32 $0x8;
	[sflag:s25] =	ssyncadd.s32 $0xFFFFD800  }
0x59: {  	[spmem:s3] =	stream.indirect.scatter.add.f32 [tilespmem:s19], [sflag:$0x8], $0x80, s18, s16, $0xb8;
	[tilespmem:$0x1E180] =	vst v63  }
.LBB2_4:
0x5a: {  	p0 =	sgt.u32 s2, $0x7A  }
0x5b: {  	s0 =	simm.s32 @!p0 $0x0;
	s5 =	simm.s32 @!p0 $0x2880  }
0x5c: {  	[tilespmem:s5], [sflag:$0x6] =	stream.linear.gather @!p0 [hbm4b:s31+s0], $0x50, $0x38;
	[tilespmem:$0x1E180] =	vst v63  }
0x5d: {  	s0 =	simm.s32 @!p0 $0x50;
	s5 =	simm.s32 @!p0 $0x7980  }
0x5e: {  	[tilespmem:s5], [sflag:$0x3] =	stream.indirect.gather @!p0 [hbm4b:s1+s0], $0x80, s30, s0, $0xb8;
	[tilespmem:$0x1E180] =	vst v63  }
0x5f: {  	_ =	swait.ge [sflag:s26], $0x50  }
0x60: {  	[sflag:s26] =	ssyncset.done $0x0  }
.Ltmp7:
0x61: {  	[sflag:s26] =	ssyncadd.s32 $0xFFFFFFB0;
	(pc) =	sbr.rel .LBB2_7-.Ltmp7, $4  }
0x62: {  	_ =	swait.ge [sflag:s28], $0x2800  }
0x63: {  	[sflag:s28] =	ssyncset.done $0x0  }
0x64: {  	s0 =	simm.s32 $0x8;
	[sflag:s28] =	ssyncadd.s32 $0xFFFFD800  }
0x65: {  	[spmem:s3] =	stream.indirect.scatter.add.f32 [tilespmem:s17], [sflag:$0x8], $0x80, s15, s16, $0xb8;
	[tilespmem:$0x1E180] =	vst v63  }
.LBB2_9:
0x66: {  	_ =	sfence.sel $0x180000  }
0x67: {  	[bflag:$0x0] =	sbarrier.arrive $0xFFFF  }
0x68: {  	_ =	strace $0x9000004D  }
0x69: {  	s0 =	stileid.u32;
	[bflag:$0x2] =	sbarrier.arrive $0xFFFF  }
0x6a: {  	p0 =	sne.s32 s0, $0x0;
	s0 =	rddreg [dreg:$0x3]  }
0x6b: {  	s0 =	sadd.s32 @!p0 $0x100000, s0  }
0x6c: {  	[sflag:s0] =	ssyncadd.tile.s32 @!p0 $0x1;
	_ =	shalt  }
.Lfunc_end2:
_tile_overlayer_lowered:
.L_overlay_start_2:
0x6d: {  	(tag) =	ssettag $0x2  }
0x6e: {  	s0 =	rddreg [dreg:$0x0];
	s2 =	stileid.u32  }
0x6f: {  	s1 =	rddreg [dreg:$0x1];
	p0 =	sne.s32 s2, $0x0  }
0x70: {  	s3 =	rddreg [dreg:$0x2];
	[bflag:$0x3] =	sbarrier.arrive $0xFFFF;
	s2 =	simm.s32 @!p0 $0x1C07  }
0x71: {  	[timem:s3], [sflag:s2] =	dma.local @!p0 [hbm:s0], s1  }
0x72: {  	s0 =	simm.s32 @!p0 $0x7  }
0x73: {  	_ =	swait.ge @!p0 [sflag:s0], s1  }
0x74: {  	s1 =	ssub.s32 @!p0 $0x0, s1;
	[sflag:s0] =	ssyncset.done @!p0 $0x0  }
0x75: {  	[sflag:s0] =	ssyncadd.s32 @!p0 s1  }
0x76: {  	[bflag:$0x3] =	sbarrier.arrive $0xFFFF  }
0x77: {  	_ =	shalt  }

// kernel: kernel.9.cloned.1.call-start
scs
__scs_entry_jumppad:
0x0: {  	(pc) =	sbr.rel $0x88, $3  }
0x1: {  	(tag) =	ssettag $0x0;
	lr =	simm.s32 $0x1  }
0x2: {  	[smem:$0x3F9B] =	sst lr;
	_ =	strace $0xD0000000  }
0x3: {  	_ = 	snop  }
0x4: {  	_ = 	snop  }
0x5: {  	_ = 	snop  }
0x6: {  	_ = 	snop  }
0x7: {  	_ = 	snop  }
__scs_overlays_trampoline_lowered:
0x8: {  	[smem:$0x3FAA] =	sst s0  }
0x9: {  	[smem:$0x3FAB] =	sst s1  }
0xa: {  	[smem:$0x3FAC] =	sst s2  }
0xb: {  	[smem:$0x3FAD] =	sst s3  }
0xc: {  	[smem:$0x3FAE] =	sst s4  }
0xd: {  	[smem:$0x3FAF] =	sst s5  }
0xe: {  	[smem:$0x3FB0] =	sst s6  }
0xf: {  	[smem:$0x3FB1] =	sst s7  }
0x10: {  	[smem:$0x3FB2] =	sst s8  }
0x11: {  	[smem:$0x3FB3] =	sst s9;
	s0 =	simm.s32 @!p0 $0x0  }
0x12: {  	s1 =	sld [smem:$0x3F99];
	s0 =	simm.s32 @p0 $0x1  }
0x13: {  	[smem:$0x3FB4] =	sst s0;
	s0 =	simm.s32 @!p1 $0x0  }
0x14: {  	s2 =	sld [smem:$0x3F98];
	s0 =	simm.s32 @p1 $0x1  }
0x15: {  	[smem:$0x3FB5] =	sst s0;
	s0 =	simm.s32 @!p2 $0x0  }
0x16: {  	s3 =	sld [smem:$0x3FDB];
	s0 =	simm.s32 @p2 $0x1  }
0x17: {  	s4 =	simm.s32 $0x1BF5;
	[smem:$0x3FB7] =	sst s0  }
0x18: {  	s0 =	sld [smem:$0x3F9A];
	_ =	swait.ge [sflag:s4], $0x0  }
0x19: {  	s7 =	sld [smem:$0x3F9B]  }
0x1a: {  	s8 =	sadd.s32 $0xFFFFE003, lr  }
0x1b: {  	s9 =	sadd.s32 $0xFFFFFEF7, lr;
	s5 =	simm.s32 $0xFFFFFFFF;
	p2 =	slt.u32 s8, $0xFFFFF086  }
0x1c: {  	p1 =	slt.u32 s9, $0xF7A;
	s5 =	simm.s32 @!p2 $0x0  }
0x1d: {  	s5 =	simm.s32 @p1 $0x1;
	p0 =	seq.s32 s7, s2  }
0x1e: {  	s7 =	smul.u32 @!p0 $0xF7A, s2;
	p2 =	seq.s32 @!p0 s5, $0x0  }
0x1f: {  	s9 =	smul.u32 $0xF7A, s1;
	s8 =	simm.s32 @!p0 $0x1BF5;
	p2 =	por !p2, p0  }
0x20: {  	[sflag:s8] =	ssyncset.s32 @!p0 $0xFFFFF086;
	s6 =	sadd.s32 @!p0 s3, s7;
	s7 =	simm.s32 @!p0 $0x108  }
0x21: {  	s3 =	sadd.s32 s3, s9;
	s6 =	sadd.s32 @!p0 $0x88, s6;
	s7 =	simm.s32 @p2 $0x1082  }
0x22: {  	[simem:s7], [sflag:s8] =	dma.local @!p0 [hbm:s6], $0xF7A  }
0x23: {  	s9 =	sor.u32 $0xD0000000, s2;
	s6 =	simm.s32 $0x108;
	_ =	swait.ge @!p0 [sflag:s8], $0x0  }
0x24: {  	s3 =	sadd.s32 $0x88, s3;
	s6 =	simm.s32 @!p1 $0x1082;
	[sflag:s4] =	ssyncset.s32 $0xFFFFF086  }
0x25: {  	[simem:s6], [sflag:s4] =	dma.local [hbm:s3], $0xF7A  }
0x26: {  	[smem:$0x3F9B] =	sst s1;
	(tag) =	ssettag s2;
	_ =	strace s9  }
0x27: {  	s1 =	sld [smem:$0x3FAB]  }
0x28: {  	s2 =	sld [smem:$0x3FAC]  }
0x29: {  	s4 =	sld [smem:$0x3FAE]  }
0x2a: {  	p0 =	seq.s32 s5, $0x0;
	s5 =	sld [smem:$0x3FAF]  }
0x2b: {  	s6 =	sld [smem:$0x3FB0]  }
0x2c: {  	s7 =	sld [smem:$0x3FB1]  }
0x2d: {  	s3 =	simm.s32 $0x108;
	s8 =	sld [smem:$0x3FB2]  }
0x2e: {  	s3 =	simm.s32 @!p0 $0x1082;
	s9 =	sld [smem:$0x3FB3]  }
0x2f: {  	lr =	sadd.s32 s0, s3;
	s0 =	sld [smem:$0x3FAA]  }
0x30: {  	s3 =	sld [smem:$0x3FAD]  }
0x31: {  	[smem:$0x3FB6] =	sst s10  }
0x32: {  	s10 =	sld [smem:$0x3FB4];
	_ =	sdelay $0x3  }
0x33: {  	p0 =	seq.s32 s10, $0x1;
	s10 =	sld [smem:$0x3FB6];
	_ =	sdelay $0x3  }
0x34: {  	[smem:$0x3FB6] =	sst s10  }
0x35: {  	s10 =	sld [smem:$0x3FB5];
	_ =	sdelay $0x3  }
0x36: {  	p1 =	seq.s32 s10, $0x1;
	s10 =	sld [smem:$0x3FB6];
	_ =	sdelay $0x3  }
0x37: {  	[smem:$0x3FB6] =	sst s10  }
0x38: {  	s10 =	sld [smem:$0x3FB7]  }
0x39: {  	_ = 	snop;
	(pc) =	sbr.ind lr, $3  }
0x3a: {  	_ = 	snop  }
0x3b: {  	_ = 	snop  }
0x3c: {  	p2 =	seq.s32 s10, $0x1;
	s10 =	sld [smem:$0x3FB6]  }
0x3d: {  	_ =	shalt  }
0x3e: {  	_ =	shalt  }
0x3f: {  	_ =	shalt  }
0x40: {  	_ =	shalt  }
0x41: {  	_ =	shalt  }
0x42: {  	_ =	shalt  }
0x43: {  	_ =	shalt  }
0x44: {  	_ =	shalt  }
0x45: {  	_ =	shalt  }
0x46: {  	_ =	shalt  }
0x47: {  	_ =	shalt  }
0x48: {  	_ =	shalt  }
0x49: {  	_ =	shalt  }
0x4a: {  	_ =	shalt  }
0x4b: {  	_ =	shalt  }
0x4c: {  	_ =	shalt  }
0x4d: {  	_ =	shalt  }
0x4e: {  	_ =	shalt  }
0x4f: {  	_ =	shalt  }
0x50: {  	_ =	shalt  }
0x51: {  	_ =	shalt  }
0x52: {  	_ =	shalt  }
0x53: {  	_ =	shalt  }
0x54: {  	_ =	shalt  }
0x55: {  	_ =	shalt  }
0x56: {  	_ =	shalt  }
0x57: {  	_ =	shalt  }
0x58: {  	_ =	shalt  }
0x59: {  	_ =	shalt  }
0x5a: {  	_ =	shalt  }
0x5b: {  	_ =	shalt  }
0x5c: {  	_ =	shalt  }
0x5d: {  	_ =	shalt  }
0x5e: {  	_ =	shalt  }
0x5f: {  	_ =	shalt  }
0x60: {  	_ =	shalt  }
0x61: {  	_ =	shalt  }
0x62: {  	_ =	shalt  }
0x63: {  	_ =	shalt  }
0x64: {  	_ =	shalt  }
0x65: {  	_ =	shalt  }
0x66: {  	_ =	shalt  }
0x67: {  	_ =	shalt  }
0x68: {  	_ =	shalt  }
0x69: {  	_ =	shalt  }
0x6a: {  	_ =	shalt  }
0x6b: {  	_ =	shalt  }
0x6c: {  	_ =	shalt  }
0x6d: {  	_ =	shalt  }
0x6e: {  	_ =	shalt  }
0x6f: {  	_ =	shalt  }
0x70: {  	_ =	shalt  }
0x71: {  	_ =	shalt  }
0x72: {  	_ =	shalt  }
0x73: {  	_ =	shalt  }
0x74: {  	_ =	shalt  }
0x75: {  	_ =	shalt  }
0x76: {  	_ =	shalt  }
0x77: {  	_ =	shalt  }
0x78: {  	_ =	shalt  }
0x79: {  	_ =	shalt  }
0x7a: {  	_ =	shalt  }
0x7b: {  	_ =	shalt  }
0x7c: {  	_ =	shalt  }
0x7d: {  	_ =	shalt  }
0x7e: {  	_ =	shalt  }
0x7f: {  	_ =	shalt  }
0x80: {  	_ =	shalt  }
0x81: {  	_ =	shalt  }
0x82: {  	_ =	shalt  }
0x83: {  	_ =	shalt  }
0x84: {  	_ =	shalt  }
0x85: {  	_ =	shalt  }
0x86: {  	_ =	shalt  }
0x87: {  	_ =	shalt  }
.Lfunc_end0:
.L_simem_size_0:
called_computation_lowered:
.L_overlay_start_0:
0x88: {  	s2 =	sld [smem:$0x3FD9]  }
0x89: {  	s3 =	sld [smem:$0x3FFE];
	_ =	sdelay $0x1  }
0x8a: {  	s1 =	srdreg.scid  }
0x8b: {  	s0 =	sand.u32 $0x1, s1  }
0x8c: {  	s17 =	sshll.u32 s0, $0xA;
	s2 =	sadd.s32 s3, s2  }
0x8d: {  	s2 =	sadd.s32 s2, s17  }
0x8e: {  	[smem:$0x3FC2] =	sst s2  }
0x8f: {  	_ = 	snop  }
0x90: {  	s2 =	sld [smem:$0x3FD0];
	(tm) =	ssettm $0x1  }
0x91: {  	s18 =	sld [smem:$0x3FFB];
	_ =	sdelay $0x3  }
0x92: {  	_ =	strace s18  }
0x93: {  	s3 =	sld [smem:$0x3FFC];
	_ =	sdelay $0x3  }
0x94: {  	_ =	strace s3  }
0x95: {  	s3 =	sld [smem:$0x3FFD];
	_ =	sdelay $0x3  }
0x96: {  	_ =	strace s3  }
0x97: {  	_ =	strace $0x8FFFFFFF  }
0x98: {  	s19 =	sld [smem:$0x3FDB];
	_ =	sdelay $0x1  }
0x99: {  	s4 =	simm.s32 $_scs_section_size  }
0x9a: {  	s5 =	simm.s32 $_size__tile_overlayer_lowered;
	s6 =	simm.s32 $_tile_overlayer_lowered  }
0x9b: {  	s22 =	simm.s32 $0x1BFF;
	s21 =	sshll.u32 s6, $0x1;
	s3 =	sadd.s32 s4, s19  }
0x9c: {  	s7 =	simm.s32 $0x0;
	s20 =	sshll.u32 s5, $0x1;
	s5 =	sadd.s32 s21, s3  }
0x9d: {  	[timem:s7], [sflag:s22] =	dma.local [hbm:s5], s20  }
0x9e: {  	_ =	swait.ge [sflag:s22], s20  }
0x9f: {  	s4 =	ssub.s32 $0x0, s20;
	[sflag:s22] =	ssyncset.done $0x0  }
0xa0: {  	[sflag:s22] =	ssyncadd.s32 s4;
	_ =	sdelay $0x1  }
0xa1: {  	s23 =	simm.s32 $0x1B8B  }
0xa2: {  	_ =	swait.ge [sflag:s23], $0x1  }
0xa3: {  	[sflag:s23] =	ssyncset.done $0x0  }
0xa4: {  	s25 =	simm.s32 $0x1B8E;
	s24 =	sld [smem:$0x3FFE];
	[sflag:s23] =	ssyncadd.s32 $0xFFFFFFFF  }
0xa5: {  	s26 =	simm.s32 $execute0_lowered;
	[smem:$0x3FD2] =	sst s25  }
0xa6: {  	s5 =	sshll.u32 s26, $0x1;
	_ =	strace $0x80000046;
	[dreg:$0x1] =	wrdreg $0xFFFFFFFF  }
0xa7: {  	s28 =	simm.s32 $_size_execute0_lowered;
	s3 =	sadd.s32 s3, s5;
	[dreg:$0x0] =	wrdreg $0x0  }
0xa8: {  	s5 =	sshll.u32 s28, $0x1;
	[dreg:$0x2] =	wrdreg s3  }
0xa9: {  	[dreg:$0x3] =	wrdreg s5  }
0xaa: {  	[dreg:$0x4] =	wrdreg $0xC0  }
0xab: {  	_ =	task [dreg:s7], $0x5FFFF  }
0xac: {  	[dreg:$0x1] =	wrdreg $0xFFFFFFFF  }
0xad: {  	[dreg:$0x0] =	wrdreg $0x60  }
0xae: {  	[dreg:$0x2] =	wrdreg s24  }
0xaf: {  	[dreg:$0x3] =	wrdreg s2  }
0xb0: {  	[dreg:$0x4] =	wrdreg $0x29000  }
0xb1: {  	[dreg:$0x5] =	wrdreg $0x9  }
0xb2: {  	_ =	task.clear_ibuf [dreg:s7], $0x6FFFF;
	_ =	strace $0x90000046  }
0xb3: {  	s29 =	simm.s32 $0x9;
	_ =	strace $0x80000048  }
0xb4: {  	_ =	swait.ge [sflag:s29], $0x1  }
0xb5: {  	[sflag:s29] =	ssyncadd.s32 $0xFFFFFFFF  }
0xb6: {  	_ =	strace $0x90000048  }
0xb7: {  	_ =	sfence  }
0xb8: {  	s30 =	sld [smem:$0x0];
	_ =	sdelay $0x2  }
0xb9: {  	s31 =	sshll.u32 s1, $0xD;
	s1 =	sshrl.u32 s1, $0x2  }
0xba: {  	s3 =	sand.u32 $0x4000, s31;
	s1 =	sadd.s32 s1, s30  }
0xbb: {  	s0 =	sor.u32 s3, s0;
	s1 =	sshll.u32 s1, $0x11  }
0xbc: {  	s0 =	sor.u32 s1, s0  }
0xbd: {  	s0 =	sadd.s32 $0x8F2B, s0  }
0xbe: {  	[sflag:s0] =	ssyncadd.remote.s32 $0x1  }
0xbf: {  	_ =	sfence.sel $0xFFFF  }
0xc0: {  	[dreg:$0x0] =	wrdreg $0xFFFFFFFF;
	(pc) =	sbr.abs _section_cstart, $3  }
0xc1: {  	[dreg:$0x1] =	wrdreg $0xFFFFFFFF  }
0xc2: {  	_ =	task.clear_ibuf [dreg:s7], $0x2FFFF;
	_ =	strace $0x9FFFFFFF  }
0xc3: {  	(tm) =	ssettm $0x7FFFFFFF  }
tec
execute0_lowered:
.L_overlay_start_1:
0x0: {  	(tag) =	ssettag $0x1  }
0x1: {  	s6 =	rddreg [dreg:$0x0]  }
0x2: {  	s2 =	rddreg [dreg:$0x1]  }
0x3: {  	s3 =	rddreg [dreg:$0x2]  }
0x4: {  	s0 =	rddreg [dreg:$0x3]  }
0x5: {  	s1 =	stileid.u32;
	s5 =	srdreg.scid  }
0x6: {  	s4 =	simm.s32 $0x0;
	s16 =	simm.s32 $0x50;
	s17 =	simm.s32 $0x4  }
0x7: {  	s18 =	simm.s32 $0x0;
	s7 =	smul.u32 $0x14000, s1;
	s8 =	sand.u32 $0x1, s5  }
0x8: {  	[smem:$0x7FF] =	sst s4;
	s5 =	sadd.s32 $0xBE00, s6;
	s12 =	smul.u32 $0x50000, s1  }
0x9: {  	s25 =	sshll.u32 s1, $0x1;
	s29 =	smul.u32 $0x4E20, s1;
	s30 =	sshll.u32 s1, $0x6  }
0xa: {  	s9 =	smul.u32 $0x140000, s8;
	_ =	strace $0x80000047;
	s11 =	ssub.s32 $0x2, s8  }
0xb: {  	s15 =	smul.u32 $0x2710, s8;
	s10 =	sshrl.u32 s7, $0x3;
	s26 =	sshrl.u32 s11, $0x1  }
0xc: {  	s28 =	sshrl.u32 s12, $0x2;
	s7 =	sadd.s32 s7, s9;
	s24 =	sadd.s32 s10, s6  }
0xd: {  	s10 =	sor.u32 s8, s25;
	s11 =	ssub.s32 s11, s26;
	s14 =	sadd.s32 s28, s3  }
0xe: {  	s12 =	sadd.s32 s15, s29;
	s7 =	sshrl.u32 s7, $0x3;
	s10 =	smul.u32 $0x2710, s10  }
0xf: {  	s15 =	simm.s32 $0x1;
	s13 =	sadd.s32 s7, s6;
	s6 =	sadd.s32 $0x15C00, s24  }
0x10: {  	s7 =	sor.u32 $0x1C03, s30;
	s31 =	sshrl.u32 s10, $0x3;
	s9 =	sadd.s32 $0x3DC00, s13  }
0x11: {  	s10 =	smax.u32 s11, $0x1;
	s11 =	sadd.s32 $0x50, s12;
	s12 =	sshrl.u32 s14, $0x3  }
0x12: {  	s13 =	simm.s32 $0x3;
	s14 =	simm.s32 $0x100;
	s8 =	sadd.s32 s5, s31  }
.LBB2_1:
0x13: {  	[spmem:s12], [sflag:s7] =	dma.local [hbm:s6], $0x2800  }
0x14: {  	_ =	swait.ge [sflag:s13], $0x2800  }
0x15: {  	[sflag:s13] =	ssyncset.done $0x0  }
0x16: {  	[sflag:s13] =	ssyncadd.s32 $0xFFFFD800  }
0x17: {  	[tilespmem:s14], [sflag:$0x3] =	stream.linear.gather [hbm4b:s2+s4], $0x2800, $0x38;
	[tilespmem:$0x16900] =	vst v63  }
0x18: {  	_ =	swait.ge [sflag:s13], $0x2800  }
0x19: {  	s19 =	sand.u32 $0x1, s4;
	[sflag:s13] =	ssyncset.done $0x0  }
0x1a: {  	p0 =	seq.s32 s19, $0x1;
	[sflag:s13] =	ssyncadd.s32 $0xFFFFD800  }
0x1b: {  	s19 =	sshrl.u32 @p0 s11, $0x3;
	[bflag:$0x0] =	sbarrier.arrive $0xFFFF  }
0x1c: {  	[tilespmem:s4], [sflag:$0x1] =	stream.linear.gather [hbm4b:s8+s4], $0x50, $0x38;
	[tilespmem:$0x16900] =	vst v63  }
0x1d: {  	s20 =	simm.s32 @p0 $0x0;
	s21 =	simm.s32 @p0 $0x2;
	s19 =	sadd.s32 @p0 s5, s19  }
0x1e: {  	[tilespmem:s20], [sflag:$0x1] =	stream.linear.gather @p0 [hbm4b:s19+s20], $0x50, $0x38;
	[tilespmem:$0x16900] =	vst v63  }
0x1f: {  	s22 =	sshrl.u32 @!p0 s11, $0x3;
	_ =	swait.ge @p0 [sflag:s21], $0x50  }
0x20: {  	s23 =	simm.s32 @p0 $0x80;
	s19 =	simm.s32 @!p0 $0x1;
	[sflag:s21] =	ssyncset.done @p0 $0x0  }
0x21: {  	s20 =	simm.s32 @p0 $0x100;
	[sflag:s21] =	ssyncadd.s32 @p0 $0xFFFFFFB0;
	s21 =	simm.s32 @p0 $0x50  }
0x22: {  	[spmem:s3] =	stream.indirect.scatter.add.f32 @p0 [tilespmem:s20], [sflag:$0x3], $0x80, s23, s21, $0xb8;
	[tilespmem:$0x16900] =	vst v63  }
0x23: {  	s20 =	sadd.s32 @!p0 s5, s22;
	s22 =	simm.s32 @!p0 $0x0;
	s21 =	simm.s32 @!p0 $0x80  }
0x24: {  	[tilespmem:s21], [sflag:$0x2] =	stream.linear.gather @!p0 [hbm4b:s20+s22], $0x50, $0x38;
	[tilespmem:$0x16900] =	vst v63  }
0x25: {  	s30 =	simm.s32 $0x1;
	_ =	swait.ge @!p0 [sflag:s19], $0x50  }
0x26: {  	s20 =	simm.s32 @!p0 $0x100;
	s21 =	simm.s32 @!p0 $0x4;
	[sflag:s19] =	ssyncset.done @!p0 $0x0  }
0x27: {  	s21 =	simm.s32 @p0 $0x3;
	[sflag:s19] =	ssyncadd.s32 @!p0 $0xFFFFFFB0;
	s19 =	simm.s32 @!p0 $0x50  }
0x28: {  	[spmem:s3] =	stream.indirect.scatter.add.f32 @!p0 [tilespmem:s20], [sflag:$0x4], $0x80, s22, s19, $0xb8;
	[tilespmem:$0x16900] =	vst v63  }
0x29: {  	s31 =	sand.u32 $0x1, s30;
	s20 =	simm.s32 $0x2;
	_ =	swait.ge [sflag:s21], $0x2800  }
0x2a: {  	p0 =	seq.s32 s31, $0x1;
	s19 =	sadd.s32 $0x50, s11;
	[sflag:s21] =	ssyncset.done $0x0  }
.LBB2_2:
0x2b: {  	s22 =	sshrl.u32 @p0 s19, $0x3  }
0x2c: {  	[sflag:s21] =	ssyncadd.s32 $0xFFFFD800;
	s23 =	smov.u32 s20;
	s20 =	sadd.s32 $0x1, s20  }
0x2d: {  	s24 =	simm.s32 @p0 $0x2;
	s21 =	sadd.s32 @p0 s5, s22;
	s22 =	simm.s32 @p0 $0x0  }
0x2e: {  	[tilespmem:s22], [sflag:$0x1] =	stream.linear.gather @p0 [hbm4b:s21+s22], $0x50, $0x38;
	[tilespmem:$0x16900] =	vst v63  }
0x2f: {  	p1 =	sne.s32 s20, $0x7C;
	s22 =	simm.s32 @!p0 $0x1;
	_ =	swait.ge @p0 [sflag:s24], $0x50  }
0x30: {  	s25 =	sshrl.u32 @!p0 s19, $0x3;
	s21 =	simm.s32 @p0 $0x100;
	[sflag:s24] =	ssyncset.done @p0 $0x0  }
0x31: {  	s26 =	simm.s32 @p0 $0x80;
	[sflag:s24] =	ssyncadd.s32 @p0 $0xFFFFFFB0;
	s24 =	simm.s32 @p0 $0x50  }
0x32: {  	[spmem:s3] =	stream.indirect.scatter.add.f32 @p0 [tilespmem:s21], [sflag:$0x3], $0x80, s26, s24, $0xb8;
	[tilespmem:$0x16900] =	vst v63  }
0x33: {  	s21 =	sadd.s32 @!p0 s5, s25;
	s24 =	simm.s32 @!p0 $0x0;
	s25 =	simm.s32 @!p0 $0x80  }
0x34: {  	[tilespmem:s25], [sflag:$0x2] =	stream.linear.gather @!p0 [hbm4b:s21+s24], $0x50, $0x38;
	[tilespmem:$0x16900] =	vst v63  }
0x35: {  	s25 =	simm.s32 @!p0 $0x100;
	_ =	swait.ge @!p0 [sflag:s22], $0x50  }
.Ltmp0:
0x36: {  	s21 =	simm.s32 @!p0 $0x4;
	[sflag:s22] =	ssyncset.done @!p0 $0x0;
	(pc) =	sbr.rel @p1 .LBB2_2-.Ltmp0, $4  }
0x37: {  	s21 =	simm.s32 @p0 $0x3;
	[sflag:s22] =	ssyncadd.s32 @!p0 $0xFFFFFFB0;
	s22 =	simm.s32 @!p0 $0x50  }
0x38: {  	[spmem:s3] =	stream.indirect.scatter.add.f32 @!p0 [tilespmem:s25], [sflag:$0x4], $0x80, s24, s22, $0xb8;
	[tilespmem:$0x16900] =	vst v63  }
0x39: {  	s22 =	sand.u32 $0x1, s23;
	_ =	swait.ge [sflag:s21], $0x2800  }
0x3a: {  	s19 =	sadd.s32 $0x50, s19;
	p0 =	seq.s32 s22, $0x1;
	[sflag:s21] =	ssyncset.done $0x0  }
0x3b: {  	s20 =	sshrl.u32 @p0 s19, $0x3;
	[sflag:s21] =	ssyncadd.s32 $0xFFFFD800  }
0x3c: {  	s21 =	simm.s32 @p0 $0x0;
	s22 =	simm.s32 @p0 $0x2;
	s20 =	sadd.s32 @p0 s5, s20  }
0x3d: {  	[tilespmem:s21], [sflag:$0x1] =	stream.linear.gather @p0 [hbm4b:s20+s21], $0x50, $0x38;
	[tilespmem:$0x16900] =	vst v63  }
0x3e: {  	s19 =	sshrl.u32 @!p0 s19, $0x3;
	_ =	swait.ge @p0 [sflag:s22], $0x50  }
0x3f: {  	s23 =	simm.s32 @p0 $0x80;
	s19 =	sadd.s32 @!p0 s5, s19;
	[sflag:s22] =	ssyncset.done @p0 $0x0  }
0x40: {  	s21 =	simm.s32 @p0 $0x100;
	[sflag:s22] =	ssyncadd.s32 @p0 $0xFFFFFFB0;
	s22 =	simm.s32 @p0 $0x50  }
0x41: {  	[spmem:s3] =	stream.indirect.scatter.add.f32 @p0 [tilespmem:s21], [sflag:$0x3], $0x80, s23, s22, $0xb8;
	[tilespmem:$0x16900] =	vst v63  }
0x42: {  	s20 =	simm.s32 @!p0 $0x1;
	s21 =	simm.s32 @!p0 $0x0;
	s22 =	simm.s32 @!p0 $0x80  }
0x43: {  	[tilespmem:s22], [sflag:$0x2] =	stream.linear.gather @!p0 [hbm4b:s19+s21], $0x50, $0x38;
	[tilespmem:$0x16900] =	vst v63  }
0x44: {  	_ =	swait.ge @!p0 [sflag:s20], $0x50  }
0x45: {  	s19 =	simm.s32 @!p0 $0x100;
	s22 =	simm.s32 @!p0 $0x4;
	[sflag:s20] =	ssyncset.done @!p0 $0x0  }
0x46: {  	s22 =	simm.s32 @p0 $0x3;
	[sflag:s20] =	ssyncadd.s32 @!p0 $0xFFFFFFB0;
	s20 =	simm.s32 @!p0 $0x50  }
0x47: {  	[spmem:s3] =	stream.indirect.scatter.add.f32 @!p0 [tilespmem:s19], [sflag:$0x4], $0x80, s21, s20, $0xb8;
	[tilespmem:$0x16900] =	vst v63  }
0x48: {  	_ =	swait.ge [sflag:s22], $0x2800  }
0x49: {  	[sflag:s22] =	ssyncset.done $0x0  }
0x4a: {  	[sflag:s22] =	ssyncadd.s32 $0xFFFFD800  }
0x4b: {  	_ =	swait.ge [sflag:s15], $0x50  }
0x4c: {  	[sflag:s15] =	ssyncset.done $0x0  }
0x4d: {  	[sflag:s15] =	ssyncadd.s32 $0xFFFFFFB0  }
0x4e: {  	[spmem:s3] =	stream.indirect.scatter.add.f32 [tilespmem:s14], [sflag:$0x4], $0x80, s4, s16, $0xb8;
	[tilespmem:$0x16900] =	vst v63  }
0x4f: {  	_ =	swait.ge [sflag:s17], $0x2800  }
0x50: {  	s18 =	sadd.s32 $0x1, s18;
	[sflag:s17] =	ssyncset.done $0x0  }
0x51: {  	p0 =	sne.s32 s18, s10;
	[sflag:s17] =	ssyncadd.s32 $0xFFFFD800  }
.Ltmp1:
0x52: {  	[bflag:$0x0] =	sbarrier.arrive $0xFFFF;
	(pc) =	sbr.rel @p0 .LBB2_1-.Ltmp1, $4  }
0x53: {  	[hbm:s9], [sflag:s7] =	dma.local [spmem:s12], $0x2800  }
0x54: {  	_ =	swait.ge [sflag:s13], $0x2800  }
0x55: {  	[sflag:s13] =	ssyncset.done $0x0  }
0x56: {  	[sflag:s13] =	ssyncadd.s32 $0xFFFFD800  }
0x57: {  	_ =	sfence.sel $0x180000  }
0x58: {  	[bflag:$0x0] =	sbarrier.arrive $0xFFFF  }
0x59: {  	p0 =	sne.s32 s1, $0x0;
	_ =	strace $0x90000047  }
0x5a: {  	s0 =	sadd.s32 @!p0 $0x100000, s0;
	[bflag:$0x2] =	sbarrier.arrive $0xFFFF  }
0x5b: {  	[sflag:s0] =	ssyncadd.tile.s32 @!p0 $0x1;
	_ =	shalt  }
.Lfunc_end2:
_tile_overlayer_lowered:
.L_overlay_start_2:
0x5c: {  	(tag) =	ssettag $0x2  }
0x5d: {  	s0 =	rddreg [dreg:$0x0];
	s2 =	stileid.u32  }
0x5e: {  	s1 =	rddreg [dreg:$0x1];
	p0 =	sne.s32 s2, $0x0  }
0x5f: {  	s3 =	rddreg [dreg:$0x2];
	[bflag:$0x3] =	sbarrier.arrive $0xFFFF;
	s2 =	simm.s32 @!p0 $0x1C03  }
0x60: {  	[timem:s3], [sflag:s2] =	dma.local @!p0 [hbm:s0], s1  }
0x61: {  	s0 =	simm.s32 @!p0 $0x3  }
0x62: {  	_ =	swait.ge @!p0 [sflag:s0], s1  }
0x63: {  	s1 =	ssub.s32 @!p0 $0x0, s1;
	[sflag:s0] =	ssyncset.done @!p0 $0x0  }
0x64: {  	[sflag:s0] =	ssyncadd.s32 @!p0 s1  }
0x65: {  	[bflag:$0x3] =	sbarrier.arrive $0xFFFF  }
0x66: {  	_ =	shalt  }

</sc_bundles>
